<compile_context>
chip_gen: v7x
topology: tpu7x:2x2x1
jax: 0.10.2.dev20260603
libtpu: 0.0.44.dev20260713+nightly
codegen_flags: <defaults>
</compile_context>

<pallas_src>
import jax
import jax.numpy as jnp
from jax import lax
from jax.experimental import pallas as pl
from jax.experimental.pallas import tpu as pltpu
from jax.experimental.pallas import tpu_sc as plsc

ROWS, COLS = 16384, 128
NUM_CORES, NUM_SUBCORES = 2, 16
NUM_WORKERS = NUM_CORES * NUM_SUBCORES
ROWS_PER_WORKER = ROWS // NUM_WORKERS
BLK = 64
CHUNK = 512
NCHUNK = ROWS // CHUNK
NBUF = 16


def _tc_reduce_body(x_hbm, blk_ref, bufs, *sems):
    for k in range(NBUF):
        pltpu.make_async_copy(
            x_hbm.at[pl.ds(k * CHUNK, CHUNK)], bufs.at[k], sems[k]
        ).start()

    acc = jnp.zeros((1, COLS), jnp.float32)
    for k in range(NCHUNK):
        b = k % NBUF
        pltpu.make_async_copy(
            x_hbm.at[pl.ds(k * CHUNK, CHUNK)], bufs.at[b], sems[b]
        ).wait()
        a = bufs[b].reshape(CHUNK // 8, 8, COLS)
        if k + NBUF < NCHUNK:
            pltpu.make_async_copy(
                x_hbm.at[pl.ds((k + NBUF) * CHUNK, CHUNK)], bufs.at[b], sems[b]
            ).start()
        while a.shape[0] > 1:
            h = a.shape[0] // 2
            a = a[:h] + a[h:]
        acc = acc + jnp.sum(a[0], axis=0, keepdims=True)

    col = lax.broadcasted_iota(jnp.int32, (1, COLS), 1)
    m = jnp.min(jnp.where(acc >= 0.0, col, COLS))
    idx = jnp.where(m >= COLS, 0, m)
    blk_ref[...] = jnp.where(
        lax.broadcasted_iota(jnp.int32, (BLK, COLS), 1) == idx, 1.0, -1.0
    ).astype(jnp.float32)


_tc_reduce = pl.pallas_call(
    _tc_reduce_body,
    in_specs=[pl.BlockSpec(memory_space=pl.MemorySpace.ANY)],
    out_shape=jax.ShapeDtypeStruct((BLK, COLS), jnp.float32),
    scratch_shapes=[pltpu.VMEM((NBUF, CHUNK, COLS), jnp.float32)]
    + [pltpu.SemaphoreType.DMA] * NBUF,
)


_MESH = plsc.VectorSubcoreMesh(
    core_axis_name="c", subcore_axis_name="s",
    num_cores=NUM_CORES, num_subcores=NUM_SUBCORES,
)


def _sc_write_body(blk_hbm, out_hbm, blk_v, sem):
    cid = lax.axis_index("c")
    sid = lax.axis_index("s")
    wid = cid * NUM_SUBCORES + sid
    base = wid * ROWS_PER_WORKER

    pltpu.sync_copy(blk_hbm, blk_v)
    copies = [
        pltpu.make_async_copy(
            blk_v, out_hbm.at[pl.ds(base + b * BLK, BLK)], sem
        )
        for b in range(ROWS_PER_WORKER // BLK)
    ]
    for c in copies:
        c.start()
    for c in copies:
        c.wait()


_sc_write = pl.kernel(
    _sc_write_body,
    out_type=jax.ShapeDtypeStruct((ROWS, COLS), jnp.float32),
    mesh=_MESH,
    compiler_params=pltpu.CompilerParams(needs_layout_passes=False),
    scratch_types=[
        pltpu.VMEM((BLK, COLS), jnp.float32),
        pltpu.SemaphoreType.DMA,
    ],
)


@jax.jit
def kernel(x):
    return _sc_write(_tc_reduce(x))

# --- scband reference (transcript-rebuilt; emitter-appended) ---
"""Pipeline reference for scband-random-chooser-16776142258909 (READ-ONLY COPY).

The authoritative reference and input builder live on the scoring server;
editing this copy changes nothing except your own understanding.
"""

import jax, jax.numpy as jnp
import numpy as np

SCALE = 1.0

def setup_inputs(seed: int = 0) -> dict:
    key = jax.random.key(seed)
    x = jax.random.normal(key, (16384, 128), dtype=jnp.float32)
    return {"x": x}

def reference(x):
    # training-mode branch of randomChooser, made deterministic:
    # torch: chosenIndex = random.choice((sum(x,0) >= 0).nonzero()); here we take the FIRST
    # qualifying column index (fallback 0 if none), matching the try/except fallback.
    s = jnp.sum(jax.lax.stop_gradient(x), axis=0)
    mask = s >= 0
    cand = jnp.nonzero(mask, size=x.shape[1], fill_value=-1)[0]
    idx = jnp.where(cand[0] >= 0, cand[0], 0)
    out = jnp.full(x.shape, -1.0 * SCALE, dtype=x.dtype)
    out = out.at[jnp.arange(x.shape[0]), idx].set(jnp.asarray(SCALE, dtype=x.dtype))
    return out

if __name__ == "__main__":
    import jax
    _d = setup_inputs()
    print(jax.jit(kernel)(*tuple(_d.values())))

</pallas_src>

<mosaic_0001>
#map = affine_map<(d0, d1) -> (0, 0)>
module attributes {stable_mosaic.version = 14 : i64} {
  func.func @_sc_write_body(%arg0: i32, %arg1: i32, %arg2: memref<64x128xf32, #tpu.memory_space<hbm>>, %arg3: memref<16384x128xf32, #tpu.memory_space<hbm>>, %arg4: memref<64x128xf32, #tpu.memory_space<vmem>>, %arg5: memref<!tpu.dma_semaphore, #tpu.memory_space<semaphore_mem>>) attributes {dimension_semantics = [#tpu.dimension_semantics<core_parallel>, #tpu.dimension_semantics<subcore_parallel>], iteration_bounds = array<i64: 2, 16>, scalar_prefetch = 0 : i64, scratch_operands = 2 : i64, tpu.core_type = #tpu.core_type<sc_vector_subcore>, window_params = [{transform_indices = #map}, {transform_indices = #map}]} {
    %mul3A = arith.constant 16 : i32
    %mul3A_0 = arith.muli %arg0, %mul3A : i32
    %add3A = arith.addi %mul3A_0, %arg1 : i32
    %mul3A_1 = arith.constant 512 : i32
    %mul3A_2 = arith.muli %add3A, %mul3A_1 : i32
    "tpu.region"() ({
      %run_scoped3A = tpu.sem_alloc : memref<!tpu.dma_semaphore, #tpu.memory_space<semaphore_mem>>
      tpu.enqueue_dma source(%arg2 : memref<64x128xf32, #tpu.memory_space<hbm>>) target(%arg4 : memref<64x128xf32, #tpu.memory_space<vmem>>) target_semaphore(%run_scoped3A : memref<!tpu.dma_semaphore, #tpu.memory_space<semaphore_mem>>)
      tpu.wait_dma2 semaphore(%run_scoped3A : memref<!tpu.dma_semaphore, #tpu.memory_space<semaphore_mem>>) src(%arg2 : memref<64x128xf32, #tpu.memory_space<hbm>>) dst(%arg4 : memref<64x128xf32, #tpu.memory_space<vmem>>)
      tpu.yield
    }) : () -> ()
    %add3A_3 = arith.constant 0 : i32
    %add3A_4 = arith.addi %mul3A_2, %add3A_3 : i32
    %add3A_5 = arith.constant 64 : i32
    %add3A_6 = arith.addi %mul3A_2, %add3A_5 : i32
    %add3A_7 = arith.constant 128 : i32
    %add3A_8 = arith.addi %mul3A_2, %add3A_7 : i32
    %add3A_9 = arith.constant 192 : i32
    %add3A_10 = arith.addi %mul3A_2, %add3A_9 : i32
    %add3A_11 = arith.constant 256 : i32
    %add3A_12 = arith.addi %mul3A_2, %add3A_11 : i32
    %add3A_13 = arith.constant 320 : i32
    %add3A_14 = arith.addi %mul3A_2, %add3A_13 : i32
    %add3A_15 = arith.constant 384 : i32
    %add3A_16 = arith.addi %mul3A_2, %add3A_15 : i32
    %add3A_17 = arith.constant 448 : i32
    %add3A_18 = arith.addi %mul3A_2, %add3A_17 : i32
    %dma_start3A = arith.constant 0 : i32
    %dma_start3A_19 = tpu.memref_slice %arg3[%add3A_4, %dma_start3A] : memref<16384x128xf32, #tpu.memory_space<hbm>> -> memref<64x128xf32, #tpu.memory_space<hbm>>
    %dma_start3A_20 = arith.constant 0 : i32
    %dma_start3A_21 = tpu.memref_slice %arg3[%add3A_4, %dma_start3A_20] : memref<16384x128xf32, #tpu.memory_space<hbm>> -> memref<64x128xf32, #tpu.memory_space<hbm>>
    tpu.enqueue_dma source(%arg4 : memref<64x128xf32, #tpu.memory_space<vmem>>) target(%dma_start3A_21 : memref<64x128xf32, #tpu.memory_space<hbm>>) target_semaphore(%arg5 : memref<!tpu.dma_semaphore, #tpu.memory_space<semaphore_mem>>)
    %dma_start3A_22 = arith.constant 0 : i32
    %dma_start3A_23 = tpu.memref_slice %arg3[%add3A_6, %dma_start3A_22] : memref<16384x128xf32, #tpu.memory_space<hbm>> -> memref<64x128xf32, #tpu.memory_space<hbm>>
    %dma_start3A_24 = arith.constant 0 : i32
    %dma_start3A_25 = tpu.memref_slice %arg3[%add3A_6, %dma_start3A_24] : memref<16384x128xf32, #tpu.memory_space<hbm>> -> memref<64x128xf32, #tpu.memory_space<hbm>>
    tpu.enqueue_dma source(%arg4 : memref<64x128xf32, #tpu.memory_space<vmem>>) target(%dma_start3A_25 : memref<64x128xf32, #tpu.memory_space<hbm>>) target_semaphore(%arg5 : memref<!tpu.dma_semaphore, #tpu.memory_space<semaphore_mem>>)
    %dma_start3A_26 = arith.constant 0 : i32
    %dma_start3A_27 = tpu.memref_slice %arg3[%add3A_8, %dma_start3A_26] : memref<16384x128xf32, #tpu.memory_space<hbm>> -> memref<64x128xf32, #tpu.memory_space<hbm>>
    %dma_start3A_28 = arith.constant 0 : i32
    %dma_start3A_29 = tpu.memref_slice %arg3[%add3A_8, %dma_start3A_28] : memref<16384x128xf32, #tpu.memory_space<hbm>> -> memref<64x128xf32, #tpu.memory_space<hbm>>
    tpu.enqueue_dma source(%arg4 : memref<64x128xf32, #tpu.memory_space<vmem>>) target(%dma_start3A_29 : memref<64x128xf32, #tpu.memory_space<hbm>>) target_semaphore(%arg5 : memref<!tpu.dma_semaphore, #tpu.memory_space<semaphore_mem>>)
    %dma_start3A_30 = arith.constant 0 : i32
    %dma_start3A_31 = tpu.memref_slice %arg3[%add3A_10, %dma_start3A_30] : memref<16384x128xf32, #tpu.memory_space<hbm>> -> memref<64x128xf32, #tpu.memory_space<hbm>>
    %dma_start3A_32 = arith.constant 0 : i32
    %dma_start3A_33 = tpu.memref_slice %arg3[%add3A_10, %dma_start3A_32] : memref<16384x128xf32, #tpu.memory_space<hbm>> -> memref<64x128xf32, #tpu.memory_space<hbm>>
    tpu.enqueue_dma source(%arg4 : memref<64x128xf32, #tpu.memory_space<vmem>>) target(%dma_start3A_33 : memref<64x128xf32, #tpu.memory_space<hbm>>) target_semaphore(%arg5 : memref<!tpu.dma_semaphore, #tpu.memory_space<semaphore_mem>>)
    %dma_start3A_34 = arith.constant 0 : i32
    %dma_start3A_35 = tpu.memref_slice %arg3[%add3A_12, %dma_start3A_34] : memref<16384x128xf32, #tpu.memory_space<hbm>> -> memref<64x128xf32, #tpu.memory_space<hbm>>
    %dma_start3A_36 = arith.constant 0 : i32
    %dma_start3A_37 = tpu.memref_slice %arg3[%add3A_12, %dma_start3A_36] : memref<16384x128xf32, #tpu.memory_space<hbm>> -> memref<64x128xf32, #tpu.memory_space<hbm>>
    tpu.enqueue_dma source(%arg4 : memref<64x128xf32, #tpu.memory_space<vmem>>) target(%dma_start3A_37 : memref<64x128xf32, #tpu.memory_space<hbm>>) target_semaphore(%arg5 : memref<!tpu.dma_semaphore, #tpu.memory_space<semaphore_mem>>)
    %dma_start3A_38 = arith.constant 0 : i32
    %dma_start3A_39 = tpu.memref_slice %arg3[%add3A_14, %dma_start3A_38] : memref<16384x128xf32, #tpu.memory_space<hbm>> -> memref<64x128xf32, #tpu.memory_space<hbm>>
    %dma_start3A_40 = arith.constant 0 : i32
    %dma_start3A_41 = tpu.memref_slice %arg3[%add3A_14, %dma_start3A_40] : memref<16384x128xf32, #tpu.memory_space<hbm>> -> memref<64x128xf32, #tpu.memory_space<hbm>>
    tpu.enqueue_dma source(%arg4 : memref<64x128xf32, #tpu.memory_space<vmem>>) target(%dma_start3A_41 : memref<64x128xf32, #tpu.memory_space<hbm>>) target_semaphore(%arg5 : memref<!tpu.dma_semaphore, #tpu.memory_space<semaphore_mem>>)
    %dma_start3A_42 = arith.constant 0 : i32
    %dma_start3A_43 = tpu.memref_slice %arg3[%add3A_16, %dma_start3A_42] : memref<16384x128xf32, #tpu.memory_space<hbm>> -> memref<64x128xf32, #tpu.memory_space<hbm>>
    %dma_start3A_44 = arith.constant 0 : i32
    %dma_start3A_45 = tpu.memref_slice %arg3[%add3A_16, %dma_start3A_44] : memref<16384x128xf32, #tpu.memory_space<hbm>> -> memref<64x128xf32, #tpu.memory_space<hbm>>
    tpu.enqueue_dma source(%arg4 : memref<64x128xf32, #tpu.memory_space<vmem>>) target(%dma_start3A_45 : memref<64x128xf32, #tpu.memory_space<hbm>>) target_semaphore(%arg5 : memref<!tpu.dma_semaphore, #tpu.memory_space<semaphore_mem>>)
    %dma_start3A_46 = arith.constant 0 : i32
    %dma_start3A_47 = tpu.memref_slice %arg3[%add3A_18, %dma_start3A_46] : memref<16384x128xf32, #tpu.memory_space<hbm>> -> memref<64x128xf32, #tpu.memory_space<hbm>>
    %dma_start3A_48 = arith.constant 0 : i32
    %dma_start3A_49 = tpu.memref_slice %arg3[%add3A_18, %dma_start3A_48] : memref<16384x128xf32, #tpu.memory_space<hbm>> -> memref<64x128xf32, #tpu.memory_space<hbm>>
    tpu.enqueue_dma source(%arg4 : memref<64x128xf32, #tpu.memory_space<vmem>>) target(%dma_start3A_49 : memref<64x128xf32, #tpu.memory_space<hbm>>) target_semaphore(%arg5 : memref<!tpu.dma_semaphore, #tpu.memory_space<semaphore_mem>>)
    %dma_wait3A = arith.constant 0 : i32
    %dma_wait3A_50 = tpu.memref_slice %arg3[%add3A_4, %dma_wait3A] : memref<16384x128xf32, #tpu.memory_space<hbm>> -> memref<64x128xf32, #tpu.memory_space<hbm>>
    %dma_wait3A_51 = arith.constant 0 : i32
    %dma_wait3A_52 = tpu.memref_slice %arg3[%add3A_4, %dma_wait3A_51] : memref<16384x128xf32, #tpu.memory_space<hbm>> -> memref<64x128xf32, #tpu.memory_space<hbm>>
    tpu.wait_dma2 semaphore(%arg5 : memref<!tpu.dma_semaphore, #tpu.memory_space<semaphore_mem>>) src(%arg4 : memref<64x128xf32, #tpu.memory_space<vmem>>) dst(%dma_wait3A_52 : memref<64x128xf32, #tpu.memory_space<hbm>>)
    %dma_wait3A_53 = arith.constant 0 : i32
    %dma_wait3A_54 = tpu.memref_slice %arg3[%add3A_6, %dma_wait3A_53] : memref<16384x128xf32, #tpu.memory_space<hbm>> -> memref<64x128xf32, #tpu.memory_space<hbm>>
    %dma_wait3A_55 = arith.constant 0 : i32
    %dma_wait3A_56 = tpu.memref_slice %arg3[%add3A_6, %dma_wait3A_55] : memref<16384x128xf32, #tpu.memory_space<hbm>> -> memref<64x128xf32, #tpu.memory_space<hbm>>
    tpu.wait_dma2 semaphore(%arg5 : memref<!tpu.dma_semaphore, #tpu.memory_space<semaphore_mem>>) src(%arg4 : memref<64x128xf32, #tpu.memory_space<vmem>>) dst(%dma_wait3A_56 : memref<64x128xf32, #tpu.memory_space<hbm>>)
    %dma_wait3A_57 = arith.constant 0 : i32
    %dma_wait3A_58 = tpu.memref_slice %arg3[%add3A_8, %dma_wait3A_57] : memref<16384x128xf32, #tpu.memory_space<hbm>> -> memref<64x128xf32, #tpu.memory_space<hbm>>
    %dma_wait3A_59 = arith.constant 0 : i32
    %dma_wait3A_60 = tpu.memref_slice %arg3[%add3A_8, %dma_wait3A_59] : memref<16384x128xf32, #tpu.memory_space<hbm>> -> memref<64x128xf32, #tpu.memory_space<hbm>>
    tpu.wait_dma2 semaphore(%arg5 : memref<!tpu.dma_semaphore, #tpu.memory_space<semaphore_mem>>) src(%arg4 : memref<64x128xf32, #tpu.memory_space<vmem>>) dst(%dma_wait3A_60 : memref<64x128xf32, #tpu.memory_space<hbm>>)
    %dma_wait3A_61 = arith.constant 0 : i32
    %dma_wait3A_62 = tpu.memref_slice %arg3[%add3A_10, %dma_wait3A_61] : memref<16384x128xf32, #tpu.memory_space<hbm>> -> memref<64x128xf32, #tpu.memory_space<hbm>>
    %dma_wait3A_63 = arith.constant 0 : i32
    %dma_wait3A_64 = tpu.memref_slice %arg3[%add3A_10, %dma_wait3A_63] : memref<16384x128xf32, #tpu.memory_space<hbm>> -> memref<64x128xf32, #tpu.memory_space<hbm>>
    tpu.wait_dma2 semaphore(%arg5 : memref<!tpu.dma_semaphore, #tpu.memory_space<semaphore_mem>>) src(%arg4 : memref<64x128xf32, #tpu.memory_space<vmem>>) dst(%dma_wait3A_64 : memref<64x128xf32, #tpu.memory_space<hbm>>)
    %dma_wait3A_65 = arith.constant 0 : i32
    %dma_wait3A_66 = tpu.memref_slice %arg3[%add3A_12, %dma_wait3A_65] : memref<16384x128xf32, #tpu.memory_space<hbm>> -> memref<64x128xf32, #tpu.memory_space<hbm>>
    %dma_wait3A_67 = arith.constant 0 : i32
    %dma_wait3A_68 = tpu.memref_slice %arg3[%add3A_12, %dma_wait3A_67] : memref<16384x128xf32, #tpu.memory_space<hbm>> -> memref<64x128xf32, #tpu.memory_space<hbm>>
    tpu.wait_dma2 semaphore(%arg5 : memref<!tpu.dma_semaphore, #tpu.memory_space<semaphore_mem>>) src(%arg4 : memref<64x128xf32, #tpu.memory_space<vmem>>) dst(%dma_wait3A_68 : memref<64x128xf32, #tpu.memory_space<hbm>>)
    %dma_wait3A_69 = arith.constant 0 : i32
    %dma_wait3A_70 = tpu.memref_slice %arg3[%add3A_14, %dma_wait3A_69] : memref<16384x128xf32, #tpu.memory_space<hbm>> -> memref<64x128xf32, #tpu.memory_space<hbm>>
    %dma_wait3A_71 = arith.constant 0 : i32
    %dma_wait3A_72 = tpu.memref_slice %arg3[%add3A_14, %dma_wait3A_71] : memref<16384x128xf32, #tpu.memory_space<hbm>> -> memref<64x128xf32, #tpu.memory_space<hbm>>
    tpu.wait_dma2 semaphore(%arg5 : memref<!tpu.dma_semaphore, #tpu.memory_space<semaphore_mem>>) src(%arg4 : memref<64x128xf32, #tpu.memory_space<vmem>>) dst(%dma_wait3A_72 : memref<64x128xf32, #tpu.memory_space<hbm>>)
    %dma_wait3A_73 = arith.constant 0 : i32
    %dma_wait3A_74 = tpu.memref_slice %arg3[%add3A_16, %dma_wait3A_73] : memref<16384x128xf32, #tpu.memory_space<hbm>> -> memref<64x128xf32, #tpu.memory_space<hbm>>
    %dma_wait3A_75 = arith.constant 0 : i32
    %dma_wait3A_76 = tpu.memref_slice %arg3[%add3A_16, %dma_wait3A_75] : memref<16384x128xf32, #tpu.memory_space<hbm>> -> memref<64x128xf32, #tpu.memory_space<hbm>>
    tpu.wait_dma2 semaphore(%arg5 : memref<!tpu.dma_semaphore, #tpu.memory_space<semaphore_mem>>) src(%arg4 : memref<64x128xf32, #tpu.memory_space<vmem>>) dst(%dma_wait3A_76 : memref<64x128xf32, #tpu.memory_space<hbm>>)
    %dma_wait3A_77 = arith.constant 0 : i32
    %dma_wait3A_78 = tpu.memref_slice %arg3[%add3A_18, %dma_wait3A_77] : memref<16384x128xf32, #tpu.memory_space<hbm>> -> memref<64x128xf32, #tpu.memory_space<hbm>>
    %dma_wait3A_79 = arith.constant 0 : i32
    %dma_wait3A_80 = tpu.memref_slice %arg3[%add3A_18, %dma_wait3A_79] : memref<16384x128xf32, #tpu.memory_space<hbm>> -> memref<64x128xf32, #tpu.memory_space<hbm>>
    tpu.wait_dma2 semaphore(%arg5 : memref<!tpu.dma_semaphore, #tpu.memory_space<semaphore_mem>>) src(%arg4 : memref<64x128xf32, #tpu.memory_space<vmem>>) dst(%dma_wait3A_80 : memref<64x128xf32, #tpu.memory_space<hbm>>)
    return
  }
}

module attributes {stable_mosaic.version = 14 : i64} {
  func.func @_tc_reduce_body(%arg0: memref<16384x128xf32, #tpu.memory_space<any>>, %arg1: memref<64x128xf32, #tpu.memory_space<vmem>>, %arg2: memref<16x512x128xf32, #tpu.memory_space<vmem>>, %arg3: memref<!tpu.dma_semaphore, #tpu.memory_space<semaphore_mem>>, %arg4: memref<!tpu.dma_semaphore, #tpu.memory_space<semaphore_mem>>, %arg5: memref<!tpu.dma_semaphore, #tpu.memory_space<semaphore_mem>>, %arg6: memref<!tpu.dma_semaphore, #tpu.memory_space<semaphore_mem>>, %arg7: memref<!tpu.dma_semaphore, #tpu.memory_space<semaphore_mem>>, %arg8: memref<!tpu.dma_semaphore, #tpu.memory_space<semaphore_mem>>, %arg9: memref<!tpu.dma_semaphore, #tpu.memory_space<semaphore_mem>>, %arg10: memref<!tpu.dma_semaphore, #tpu.memory_space<semaphore_mem>>, %arg11: memref<!tpu.dma_semaphore, #tpu.memory_space<semaphore_mem>>, %arg12: memref<!tpu.dma_semaphore, #tpu.memory_space<semaphore_mem>>, %arg13: memref<!tpu.dma_semaphore, #tpu.memory_space<semaphore_mem>>, %arg14: memref<!tpu.dma_semaphore, #tpu.memory_space<semaphore_mem>>, %arg15: memref<!tpu.dma_semaphore, #tpu.memory_space<semaphore_mem>>, %arg16: memref<!tpu.dma_semaphore, #tpu.memory_space<semaphore_mem>>, %arg17: memref<!tpu.dma_semaphore, #tpu.memory_space<semaphore_mem>>, %arg18: memref<!tpu.dma_semaphore, #tpu.memory_space<semaphore_mem>>) attributes {dimension_semantics = [], scalar_prefetch = 0 : i64, scratch_operands = 17 : i64, tpu.core_type = #tpu.core_type<tc>} {
    %dma_start3A = arith.constant 0 : i32
    %dma_start3A_0 = arith.constant 0 : i32
    %dma_start3A_1 = arith.constant 0 : i32
    %dma_start3A_2 = tpu.memref_slice %arg2[%dma_start3A, %dma_start3A_0, %dma_start3A_1] : memref<16x512x128xf32, #tpu.memory_space<vmem>> -> memref<1x512x128xf32, #tpu.memory_space<vmem>>
    %dma_start3A_3 = tpu.memref_squeeze %dma_start3A_2 : memref<1x512x128xf32, #tpu.memory_space<vmem>> -> memref<512x128xf32, #tpu.memory_space<vmem>>
    %dma_start3A_4 = arith.constant 0 : i32
    %dma_start3A_5 = arith.constant 0 : i32
    %dma_start3A_6 = tpu.memref_slice %arg0[%dma_start3A_4, %dma_start3A_5] : memref<16384x128xf32, #tpu.memory_space<any>> -> memref<512x128xf32, #tpu.memory_space<any>>
    tpu.enqueue_dma source(%dma_start3A_6 : memref<512x128xf32, #tpu.memory_space<any>>) target(%dma_start3A_3 : memref<512x128xf32, #tpu.memory_space<vmem>>) target_semaphore(%arg3 : memref<!tpu.dma_semaphore, #tpu.memory_space<semaphore_mem>>)
    %dma_start3A_7 = arith.constant 1 : i32
    %dma_start3A_8 = arith.constant 0 : i32
    %dma_start3A_9 = arith.constant 0 : i32
    %dma_start3A_10 = tpu.memref_slice %arg2[%dma_start3A_7, %dma_start3A_8, %dma_start3A_9] : memref<16x512x128xf32, #tpu.memory_space<vmem>> -> memref<1x512x128xf32, #tpu.memory_space<vmem>>
    %dma_start3A_11 = tpu.memref_squeeze %dma_start3A_10 : memref<1x512x128xf32, #tpu.memory_space<vmem>> -> memref<512x128xf32, #tpu.memory_space<vmem>>
    %dma_start3A_12 = arith.constant 512 : i32
    %dma_start3A_13 = arith.constant 0 : i32
    %dma_start3A_14 = tpu.memref_slice %arg0[%dma_start3A_12, %dma_start3A_13] : memref<16384x128xf32, #tpu.memory_space<any>> -> memref<512x128xf32, #tpu.memory_space<any>>
    tpu.enqueue_dma source(%dma_start3A_14 : memref<512x128xf32, #tpu.memory_space<any>>) target(%dma_start3A_11 : memref<512x128xf32, #tpu.memory_space<vmem>>) target_semaphore(%arg4 : memref<!tpu.dma_semaphore, #tpu.memory_space<semaphore_mem>>)
    %dma_start3A_15 = arith.constant 2 : i32
    %dma_start3A_16 = arith.constant 0 : i32
    %dma_start3A_17 = arith.constant 0 : i32
    %dma_start3A_18 = tpu.memref_slice %arg2[%dma_start3A_15, %dma_start3A_16, %dma_start3A_17] : memref<16x512x128xf32, #tpu.memory_space<vmem>> -> memref<1x512x128xf32, #tpu.memory_space<vmem>>
    %dma_start3A_19 = tpu.memref_squeeze %dma_start3A_18 : memref<1x512x128xf32, #tpu.memory_space<vmem>> -> memref<512x128xf32, #tpu.memory_space<vmem>>
    %dma_start3A_20 = arith.constant 1024 : i32
    %dma_start3A_21 = arith.constant 0 : i32
    %dma_start3A_22 = tpu.memref_slice %arg0[%dma_start3A_20, %dma_start3A_21] : memref<16384x128xf32, #tpu.memory_space<any>> -> memref<512x128xf32, #tpu.memory_space<any>>
    tpu.enqueue_dma source(%dma_start3A_22 : memref<512x128xf32, #tpu.memory_space<any>>) target(%dma_start3A_19 : memref<512x128xf32, #tpu.memory_space<vmem>>) target_semaphore(%arg5 : memref<!tpu.dma_semaphore, #tpu.memory_space<semaphore_mem>>)
    %dma_start3A_23 = arith.constant 3 : i32
    %dma_start3A_24 = arith.constant 0 : i32
    %dma_start3A_25 = arith.constant 0 : i32
    %dma_start3A_26 = tpu.memref_slice %arg2[%dma_start3A_23, %dma_start3A_24, %dma_start3A_25] : memref<16x512x128xf32, #tpu.memory_space<vmem>> -> memref<1x512x128xf32, #tpu.memory_space<vmem>>
    %dma_start3A_27 = tpu.memref_squeeze %dma_start3A_26 : memref<1x512x128xf32, #tpu.memory_space<vmem>> -> memref<512x128xf32, #tpu.memory_space<vmem>>
    %dma_start3A_28 = arith.constant 1536 : i32
    %dma_start3A_29 = arith.constant 0 : i32
    %dma_start3A_30 = tpu.memref_slice %arg0[%dma_start3A_28, %dma_start3A_29] : memref<16384x128xf32, #tpu.memory_space<any>> -> memref<512x128xf32, #tpu.memory_space<any>>
    tpu.enqueue_dma source(%dma_start3A_30 : memref<512x128xf32, #tpu.memory_space<any>>) target(%dma_start3A_27 : memref<512x128xf32, #tpu.memory_space<vmem>>) target_semaphore(%arg6 : memref<!tpu.dma_semaphore, #tpu.memory_space<semaphore_mem>>)
    %dma_start3A_31 = arith.constant 4 : i32
    %dma_start3A_32 = arith.constant 0 : i32
    %dma_start3A_33 = arith.constant 0 : i32
    %dma_start3A_34 = tpu.memref_slice %arg2[%dma_start3A_31, %dma_start3A_32, %dma_start3A_33] : memref<16x512x128xf32, #tpu.memory_space<vmem>> -> memref<1x512x128xf32, #tpu.memory_space<vmem>>
    %dma_start3A_35 = tpu.memref_squeeze %dma_start3A_34 : memref<1x512x128xf32, #tpu.memory_space<vmem>> -> memref<512x128xf32, #tpu.memory_space<vmem>>
    %dma_start3A_36 = arith.constant 2048 : i32
    %dma_start3A_37 = arith.constant 0 : i32
    %dma_start3A_38 = tpu.memref_slice %arg0[%dma_start3A_36, %dma_start3A_37] : memref<16384x128xf32, #tpu.memory_space<any>> -> memref<512x128xf32, #tpu.memory_space<any>>
    tpu.enqueue_dma source(%dma_start3A_38 : memref<512x128xf32, #tpu.memory_space<any>>) target(%dma_start3A_35 : memref<512x128xf32, #tpu.memory_space<vmem>>) target_semaphore(%arg7 : memref<!tpu.dma_semaphore, #tpu.memory_space<semaphore_mem>>)
    %dma_start3A_39 = arith.constant 5 : i32
    %dma_start3A_40 = arith.constant 0 : i32
    %dma_start3A_41 = arith.constant 0 : i32
    %dma_start3A_42 = tpu.memref_slice %arg2[%dma_start3A_39, %dma_start3A_40, %dma_start3A_41] : memref<16x512x128xf32, #tpu.memory_space<vmem>> -> memref<1x512x128xf32, #tpu.memory_space<vmem>>
    %dma_start3A_43 = tpu.memref_squeeze %dma_start3A_42 : memref<1x512x128xf32, #tpu.memory_space<vmem>> -> memref<512x128xf32, #tpu.memory_space<vmem>>
    %dma_start3A_44 = arith.constant 2560 : i32
    %dma_start3A_45 = arith.constant 0 : i32
    %dma_start3A_46 = tpu.memref_slice %arg0[%dma_start3A_44, %dma_start3A_45] : memref<16384x128xf32, #tpu.memory_space<any>> -> memref<512x128xf32, #tpu.memory_space<any>>
    tpu.enqueue_dma source(%dma_start3A_46 : memref<512x128xf32, #tpu.memory_space<any>>) target(%dma_start3A_43 : memref<512x128xf32, #tpu.memory_space<vmem>>) target_semaphore(%arg8 : memref<!tpu.dma_semaphore, #tpu.memory_space<semaphore_mem>>)
    %dma_start3A_47 = arith.constant 6 : i32
    %dma_start3A_48 = arith.constant 0 : i32
    %dma_start3A_49 = arith.constant 0 : i32
    %dma_start3A_50 = tpu.memref_slice %arg2[%dma_start3A_47, %dma_start3A_48, %dma_start3A_49] : memref<16x512x128xf32, #tpu.memory_space<vmem>> -> memref<1x512x128xf32, #tpu.memory_space<vmem>>
    %dma_start3A_51 = tpu.memref_squeeze %dma_start3A_50 : memref<1x512x128xf32, #tpu.memory_space<vmem>> -> memref<512x128xf32, #tpu.memory_space<vmem>>
    %dma_start3A_52 = arith.constant 3072 : i32
    %dma_start3A_53 = arith.constant 0 : i32
    %dma_start3A_54 = tpu.memref_slice %arg0[%dma_start3A_52, %dma_start3A_53] : memref<16384x128xf32, #tpu.memory_space<any>> -> memref<512x128xf32, #tpu.memory_space<any>>
    tpu.enqueue_dma source(%dma_start3A_54 : memref<512x128xf32, #tpu.memory_space<any>>) target(%dma_start3A_51 : memref<512x128xf32, #tpu.memory_space<vmem>>) target_semaphore(%arg9 : memref<!tpu.dma_semaphore, #tpu.memory_space<semaphore_mem>>)
    %dma_start3A_55 = arith.constant 7 : i32
    %dma_start3A_56 = arith.constant 0 : i32
    %dma_start3A_57 = arith.constant 0 : i32
    %dma_start3A_58 = tpu.memref_slice %arg2[%dma_start3A_55, %dma_start3A_56, %dma_start3A_57] : memref<16x512x128xf32, #tpu.memory_space<vmem>> -> memref<1x512x128xf32, #tpu.memory_space<vmem>>
    %dma_start3A_59 = tpu.memref_squeeze %dma_start3A_58 : memref<1x512x128xf32, #tpu.memory_space<vmem>> -> memref<512x128xf32, #tpu.memory_space<vmem>>
    %dma_start3A_60 = arith.constant 3584 : i32
    %dma_start3A_61 = arith.constant 0 : i32
    %dma_start3A_62 = tpu.memref_slice %arg0[%dma_start3A_60, %dma_start3A_61] : memref<16384x128xf32, #tpu.memory_space<any>> -> memref<512x128xf32, #tpu.memory_space<any>>
    tpu.enqueue_dma source(%dma_start3A_62 : memref<512x128xf32, #tpu.memory_space<any>>) target(%dma_start3A_59 : memref<512x128xf32, #tpu.memory_space<vmem>>) target_semaphore(%arg10 : memref<!tpu.dma_semaphore, #tpu.memory_space<semaphore_mem>>)
    %dma_start3A_63 = arith.constant 8 : i32
    %dma_start3A_64 = arith.constant 0 : i32
    %dma_start3A_65 = arith.constant 0 : i32
    %dma_start3A_66 = tpu.memref_slice %arg2[%dma_start3A_63, %dma_start3A_64, %dma_start3A_65] : memref<16x512x128xf32, #tpu.memory_space<vmem>> -> memref<1x512x128xf32, #tpu.memory_space<vmem>>
    %dma_start3A_67 = tpu.memref_squeeze %dma_start3A_66 : memref<1x512x128xf32, #tpu.memory_space<vmem>> -> memref<512x128xf32, #tpu.memory_space<vmem>>
    %dma_start3A_68 = arith.constant 4096 : i32
    %dma_start3A_69 = arith.constant 0 : i32
    %dma_start3A_70 = tpu.memref_slice %arg0[%dma_start3A_68, %dma_start3A_69] : memref<16384x128xf32, #tpu.memory_space<any>> -> memref<512x128xf32, #tpu.memory_space<any>>
    tpu.enqueue_dma source(%dma_start3A_70 : memref<512x128xf32, #tpu.memory_space<any>>) target(%dma_start3A_67 : memref<512x128xf32, #tpu.memory_space<vmem>>) target_semaphore(%arg11 : memref<!tpu.dma_semaphore, #tpu.memory_space<semaphore_mem>>)
    %dma_start3A_71 = arith.constant 9 : i32
    %dma_start3A_72 = arith.constant 0 : i32
    %dma_start3A_73 = arith.constant 0 : i32
    %dma_start3A_74 = tpu.memref_slice %arg2[%dma_start3A_71, %dma_start3A_72, %dma_start3A_73] : memref<16x512x128xf32, #tpu.memory_space<vmem>> -> memref<1x512x128xf32, #tpu.memory_space<vmem>>
    %dma_start3A_75 = tpu.memref_squeeze %dma_start3A_74 : memref<1x512x128xf32, #tpu.memory_space<vmem>> -> memref<512x128xf32, #tpu.memory_space<vmem>>
    %dma_start3A_76 = arith.constant 4608 : i32
    %dma_start3A_77 = arith.constant 0 : i32
    %dma_start3A_78 = tpu.memref_slice %arg0[%dma_start3A_76, %dma_start3A_77] : memref<16384x128xf32, #tpu.memory_space<any>> -> memref<512x128xf32, #tpu.memory_space<any>>
    tpu.enqueue_dma source(%dma_start3A_78 : memref<512x128xf32, #tpu.memory_space<any>>) target(%dma_start3A_75 : memref<512x128xf32, #tpu.memory_space<vmem>>) target_semaphore(%arg12 : memref<!tpu.dma_semaphore, #tpu.memory_space<semaphore_mem>>)
    %dma_start3A_79 = arith.constant 10 : i32
    %dma_start3A_80 = arith.constant 0 : i32
    %dma_start3A_81 = arith.constant 0 : i32
    %dma_start3A_82 = tpu.memref_slice %arg2[%dma_start3A_79, %dma_start3A_80, %dma_start3A_81] : memref<16x512x128xf32, #tpu.memory_space<vmem>> -> memref<1x512x128xf32, #tpu.memory_space<vmem>>
    %dma_start3A_83 = tpu.memref_squeeze %dma_start3A_82 : memref<1x512x128xf32, #tpu.memory_space<vmem>> -> memref<512x128xf32, #tpu.memory_space<vmem>>
    %dma_start3A_84 = arith.constant 5120 : i32
    %dma_start3A_85 = arith.constant 0 : i32
    %dma_start3A_86 = tpu.memref_slice %arg0[%dma_start3A_84, %dma_start3A_85] : memref<16384x128xf32, #tpu.memory_space<any>> -> memref<512x128xf32, #tpu.memory_space<any>>
    tpu.enqueue_dma source(%dma_start3A_86 : memref<512x128xf32, #tpu.memory_space<any>>) target(%dma_start3A_83 : memref<512x128xf32, #tpu.memory_space<vmem>>) target_semaphore(%arg13 : memref<!tpu.dma_semaphore, #tpu.memory_space<semaphore_mem>>)
    %dma_start3A_87 = arith.constant 11 : i32
    %dma_start3A_88 = arith.constant 0 : i32
    %dma_start3A_89 = arith.constant 0 : i32
    %dma_start3A_90 = tpu.memref_slice %arg2[%dma_start3A_87, %dma_start3A_88, %dma_start3A_89] : memref<16x512x128xf32, #tpu.memory_space<vmem>> -> memref<1x512x128xf32, #tpu.memory_space<vmem>>
    %dma_start3A_91 = tpu.memref_squeeze %dma_start3A_90 : memref<1x512x128xf32, #tpu.memory_space<vmem>> -> memref<512x128xf32, #tpu.memory_space<vmem>>
    %dma_start3A_92 = arith.constant 5632 : i32
    %dma_start3A_93 = arith.constant 0 : i32
    %dma_start3A_94 = tpu.memref_slice %arg0[%dma_start3A_92, %dma_start3A_93] : memref<16384x128xf32, #tpu.memory_space<any>> -> memref<512x128xf32, #tpu.memory_space<any>>
    tpu.enqueue_dma source(%dma_start3A_94 : memref<512x128xf32, #tpu.memory_space<any>>) target(%dma_start3A_91 : memref<512x128xf32, #tpu.memory_space<vmem>>) target_semaphore(%arg14 : memref<!tpu.dma_semaphore, #tpu.memory_space<semaphore_mem>>)
    %dma_start3A_95 = arith.constant 12 : i32
    %dma_start3A_96 = arith.constant 0 : i32
    %dma_start3A_97 = arith.constant 0 : i32
    %dma_start3A_98 = tpu.memref_slice %arg2[%dma_start3A_95, %dma_start3A_96, %dma_start3A_97] : memref<16x512x128xf32, #tpu.memory_space<vmem>> -> memref<1x512x128xf32, #tpu.memory_space<vmem>>
    %dma_start3A_99 = tpu.memref_squeeze %dma_start3A_98 : memref<1x512x128xf32, #tpu.memory_space<vmem>> -> memref<512x128xf32, #tpu.memory_space<vmem>>
    %dma_start3A_100 = arith.constant 6144 : i32
    %dma_start3A_101 = arith.constant 0 : i32
    %dma_start3A_102 = tpu.memref_slice %arg0[%dma_start3A_100, %dma_start3A_101] : memref<16384x128xf32, #tpu.memory_space<any>> -> memref<512x128xf32, #tpu.memory_space<any>>
    tpu.enqueue_dma source(%dma_start3A_102 : memref<512x128xf32, #tpu.memory_space<any>>) target(%dma_start3A_99 : memref<512x128xf32, #tpu.memory_space<vmem>>) target_semaphore(%arg15 : memref<!tpu.dma_semaphore, #tpu.memory_space<semaphore_mem>>)
    %dma_start3A_103 = arith.constant 13 : i32
    %dma_start3A_104 = arith.constant 0 : i32
    %dma_start3A_105 = arith.constant 0 : i32
    %dma_start3A_106 = tpu.memref_slice %arg2[%dma_start3A_103, %dma_start3A_104, %dma_start3A_105] : memref<16x512x128xf32, #tpu.memory_space<vmem>> -> memref<1x512x128xf32, #tpu.memory_space<vmem>>
    %dma_start3A_107 = tpu.memref_squeeze %dma_start3A_106 : memref<1x512x128xf32, #tpu.memory_space<vmem>> -> memref<512x128xf32, #tpu.memory_space<vmem>>
    %dma_start3A_108 = arith.constant 6656 : i32
    %dma_start3A_109 = arith.constant 0 : i32
    %dma_start3A_110 = tpu.memref_slice %arg0[%dma_start3A_108, %dma_start3A_109] : memref<16384x128xf32, #tpu.memory_space<any>> -> memref<512x128xf32, #tpu.memory_space<any>>
    tpu.enqueue_dma source(%dma_start3A_110 : memref<512x128xf32, #tpu.memory_space<any>>) target(%dma_start3A_107 : memref<512x128xf32, #tpu.memory_space<vmem>>) target_semaphore(%arg16 : memref<!tpu.dma_semaphore, #tpu.memory_space<semaphore_mem>>)
    %dma_start3A_111 = arith.constant 14 : i32
    %dma_start3A_112 = arith.constant 0 : i32
    %dma_start3A_113 = arith.constant 0 : i32
    %dma_start3A_114 = tpu.memref_slice %arg2[%dma_start3A_111, %dma_start3A_112, %dma_start3A_113] : memref<16x512x128xf32, #tpu.memory_space<vmem>> -> memref<1x512x128xf32, #tpu.memory_space<vmem>>
    %dma_start3A_115 = tpu.memref_squeeze %dma_start3A_114 : memref<1x512x128xf32, #tpu.memory_space<vmem>> -> memref<512x128xf32, #tpu.memory_space<vmem>>
    %dma_start3A_116 = arith.constant 7168 : i32
    %dma_start3A_117 = arith.constant 0 : i32
    %dma_start3A_118 = tpu.memref_slice %arg0[%dma_start3A_116, %dma_start3A_117] : memref<16384x128xf32, #tpu.memory_space<any>> -> memref<512x128xf32, #tpu.memory_space<any>>
    tpu.enqueue_dma source(%dma_start3A_118 : memref<512x128xf32, #tpu.memory_space<any>>) target(%dma_start3A_115 : memref<512x128xf32, #tpu.memory_space<vmem>>) target_semaphore(%arg17 : memref<!tpu.dma_semaphore, #tpu.memory_space<semaphore_mem>>)
    %dma_start3A_119 = arith.constant 15 : i32
    %dma_start3A_120 = arith.constant 0 : i32
    %dma_start3A_121 = arith.constant 0 : i32
    %dma_start3A_122 = tpu.memref_slice %arg2[%dma_start3A_119, %dma_start3A_120, %dma_start3A_121] : memref<16x512x128xf32, #tpu.memory_space<vmem>> -> memref<1x512x128xf32, #tpu.memory_space<vmem>>
    %dma_start3A_123 = tpu.memref_squeeze %dma_start3A_122 : memref<1x512x128xf32, #tpu.memory_space<vmem>> -> memref<512x128xf32, #tpu.memory_space<vmem>>
    %dma_start3A_124 = arith.constant 7680 : i32
    %dma_start3A_125 = arith.constant 0 : i32
    %dma_start3A_126 = tpu.memref_slice %arg0[%dma_start3A_124, %dma_start3A_125] : memref<16384x128xf32, #tpu.memory_space<any>> -> memref<512x128xf32, #tpu.memory_space<any>>
    tpu.enqueue_dma source(%dma_start3A_126 : memref<512x128xf32, #tpu.memory_space<any>>) target(%dma_start3A_123 : memref<512x128xf32, #tpu.memory_space<vmem>>) target_semaphore(%arg18 : memref<!tpu.dma_semaphore, #tpu.memory_space<semaphore_mem>>)
    %broadcast_in_dim3A = arith.constant 0.000000e+00 : f32
    %broadcast_in_dim3A_127 = vector.broadcast %broadcast_in_dim3A : f32 to vector<1x128xf32>
    %dma_wait3A = arith.constant 0 : i32
    %dma_wait3A_128 = arith.constant 0 : i32
    %dma_wait3A_129 = arith.constant 0 : i32
    %dma_wait3A_130 = tpu.memref_slice %arg2[%dma_wait3A, %dma_wait3A_128, %dma_wait3A_129] : memref<16x512x128xf32, #tpu.memory_space<vmem>> -> memref<1x512x128xf32, #tpu.memory_space<vmem>>
    %dma_wait3A_131 = tpu.memref_squeeze %dma_wait3A_130 : memref<1x512x128xf32, #tpu.memory_space<vmem>> -> memref<512x128xf32, #tpu.memory_space<vmem>>
    %dma_wait3A_132 = arith.constant 0 : i32
    %dma_wait3A_133 = arith.constant 0 : i32
    %dma_wait3A_134 = tpu.memref_slice %arg0[%dma_wait3A_132, %dma_wait3A_133] : memref<16384x128xf32, #tpu.memory_space<any>> -> memref<512x128xf32, #tpu.memory_space<any>>
    tpu.wait_dma2 semaphore(%arg3 : memref<!tpu.dma_semaphore, #tpu.memory_space<semaphore_mem>>) src(%dma_wait3A_134 : memref<512x128xf32, #tpu.memory_space<any>>) dst(%dma_wait3A_131 : memref<512x128xf32, #tpu.memory_space<vmem>>)
    %get3A = arith.constant 0 : index
    %get3A_135 = arith.constant 0 : index
    %get3A_136 = arith.constant 0 : index
    %get3A_137 = vector.load %arg2[%get3A, %get3A_135, %get3A_136] : memref<16x512x128xf32, #tpu.memory_space<vmem>>, vector<1x512x128xf32>
    %get3A_138 = vector.shape_cast %get3A_137 : vector<1x512x128xf32> to vector<512x128xf32>
    %reshape3A = vector.shape_cast %get3A_138 : vector<512x128xf32> to vector<64x8x128xf32>
    %dma_start3A_139 = arith.constant 0 : i32
    %dma_start3A_140 = arith.constant 0 : i32
    %dma_start3A_141 = arith.constant 0 : i32
    %dma_start3A_142 = tpu.memref_slice %arg2[%dma_start3A_139, %dma_start3A_140, %dma_start3A_141] : memref<16x512x128xf32, #tpu.memory_space<vmem>> -> memref<1x512x128xf32, #tpu.memory_space<vmem>>
    %dma_start3A_143 = tpu.memref_squeeze %dma_start3A_142 : memref<1x512x128xf32, #tpu.memory_space<vmem>> -> memref<512x128xf32, #tpu.memory_space<vmem>>
    %dma_start3A_144 = arith.constant 8192 : i32
    %dma_start3A_145 = arith.constant 0 : i32
    %dma_start3A_146 = tpu.memref_slice %arg0[%dma_start3A_144, %dma_start3A_145] : memref<16384x128xf32, #tpu.memory_space<any>> -> memref<512x128xf32, #tpu.memory_space<any>>
    tpu.enqueue_dma source(%dma_start3A_146 : memref<512x128xf32, #tpu.memory_space<any>>) target(%dma_start3A_143 : memref<512x128xf32, #tpu.memory_space<vmem>>) target_semaphore(%arg3 : memref<!tpu.dma_semaphore, #tpu.memory_space<semaphore_mem>>)
    %slice3A = vector.extract_strided_slice %reshape3A {offsets = [0, 0, 0], sizes = [32, 8, 128], strides = [1, 1, 1]} : vector<64x8x128xf32> to vector<32x8x128xf32>
    %slice3A_147 = vector.extract_strided_slice %reshape3A {offsets = [32, 0, 0], sizes = [32, 8, 128], strides = [1, 1, 1]} : vector<64x8x128xf32> to vector<32x8x128xf32>
    %add3A = arith.addf %slice3A, %slice3A_147 : vector<32x8x128xf32>
    %slice3A_148 = vector.extract_strided_slice %add3A {offsets = [0, 0, 0], sizes = [16, 8, 128], strides = [1, 1, 1]} : vector<32x8x128xf32> to vector<16x8x128xf32>
    %slice3A_149 = vector.extract_strided_slice %add3A {offsets = [16, 0, 0], sizes = [16, 8, 128], strides = [1, 1, 1]} : vector<32x8x128xf32> to vector<16x8x128xf32>
    %add3A_150 = arith.addf %slice3A_148, %slice3A_149 : vector<16x8x128xf32>
    %slice3A_151 = vector.extract_strided_slice %add3A_150 {offsets = [0, 0, 0], sizes = [8, 8, 128], strides = [1, 1, 1]} : vector<16x8x128xf32> to vector<8x8x128xf32>
    %slice3A_152 = vector.extract_strided_slice %add3A_150 {offsets = [8, 0, 0], sizes = [8, 8, 128], strides = [1, 1, 1]} : vector<16x8x128xf32> to vector<8x8x128xf32>
    %add3A_153 = arith.addf %slice3A_151, %slice3A_152 : vector<8x8x128xf32>
    %slice3A_154 = vector.extract_strided_slice %add3A_153 {offsets = [0, 0, 0], sizes = [4, 8, 128], strides = [1, 1, 1]} : vector<8x8x128xf32> to vector<4x8x128xf32>
    %slice3A_155 = vector.extract_strided_slice %add3A_153 {offsets = [4, 0, 0], sizes = [4, 8, 128], strides = [1, 1, 1]} : vector<8x8x128xf32> to vector<4x8x128xf32>
    %add3A_156 = arith.addf %slice3A_154, %slice3A_155 : vector<4x8x128xf32>
    %slice3A_157 = vector.extract_strided_slice %add3A_156 {offsets = [0, 0, 0], sizes = [2, 8, 128], strides = [1, 1, 1]} : vector<4x8x128xf32> to vector<2x8x128xf32>
    %slice3A_158 = vector.extract_strided_slice %add3A_156 {offsets = [2, 0, 0], sizes = [2, 8, 128], strides = [1, 1, 1]} : vector<4x8x128xf32> to vector<2x8x128xf32>
    %add3A_159 = arith.addf %slice3A_157, %slice3A_158 : vector<2x8x128xf32>
    %slice3A_160 = vector.extract_strided_slice %add3A_159 {offsets = [0, 0, 0], sizes = [1, 8, 128], strides = [1, 1, 1]} : vector<2x8x128xf32> to vector<1x8x128xf32>
    %slice3A_161 = vector.extract_strided_slice %add3A_159 {offsets = [1, 0, 0], sizes = [1, 8, 128], strides = [1, 1, 1]} : vector<2x8x128xf32> to vector<1x8x128xf32>
    %add3A_162 = arith.addf %slice3A_160, %slice3A_161 : vector<1x8x128xf32>
    %squeeze3A = vector.shape_cast %add3A_162 : vector<1x8x128xf32> to vector<8x128xf32>
    %reduce_sum3A = arith.constant dense<0.000000e+00> : vector<128xf32>
    %reduce_sum3A_163 = vector.multi_reduction <add>, %squeeze3A, %reduce_sum3A [0] : vector<8x128xf32> to vector<128xf32>
    %broadcast_in_dim3A_164 = vector.shape_cast %reduce_sum3A_163 : vector<128xf32> to vector<1x128xf32>
    %add3A_165 = arith.addf %broadcast_in_dim3A_127, %broadcast_in_dim3A_164 : vector<1x128xf32>
    %dma_wait3A_166 = arith.constant 1 : i32
    %dma_wait3A_167 = arith.constant 0 : i32
    %dma_wait3A_168 = arith.constant 0 : i32
    %dma_wait3A_169 = tpu.memref_slice %arg2[%dma_wait3A_166, %dma_wait3A_167, %dma_wait3A_168] : memref<16x512x128xf32, #tpu.memory_space<vmem>> -> memref<1x512x128xf32, #tpu.memory_space<vmem>>
    %dma_wait3A_170 = tpu.memref_squeeze %dma_wait3A_169 : memref<1x512x128xf32, #tpu.memory_space<vmem>> -> memref<512x128xf32, #tpu.memory_space<vmem>>
    %dma_wait3A_171 = arith.constant 512 : i32
    %dma_wait3A_172 = arith.constant 0 : i32
    %dma_wait3A_173 = tpu.memref_slice %arg0[%dma_wait3A_171, %dma_wait3A_172] : memref<16384x128xf32, #tpu.memory_space<any>> -> memref<512x128xf32, #tpu.memory_space<any>>
    tpu.wait_dma2 semaphore(%arg4 : memref<!tpu.dma_semaphore, #tpu.memory_space<semaphore_mem>>) src(%dma_wait3A_173 : memref<512x128xf32, #tpu.memory_space<any>>) dst(%dma_wait3A_170 : memref<512x128xf32, #tpu.memory_space<vmem>>)
    %get3A_174 = arith.constant 1 : index
    %get3A_175 = arith.constant 0 : index
    %get3A_176 = arith.constant 0 : index
    %get3A_177 = vector.load %arg2[%get3A_174, %get3A_175, %get3A_176] : memref<16x512x128xf32, #tpu.memory_space<vmem>>, vector<1x512x128xf32>
    %get3A_178 = vector.shape_cast %get3A_177 : vector<1x512x128xf32> to vector<512x128xf32>
    %reshape3A_179 = vector.shape_cast %get3A_178 : vector<512x128xf32> to vector<64x8x128xf32>
    %dma_start3A_180 = arith.constant 1 : i32
    %dma_start3A_181 = arith.constant 0 : i32
    %dma_start3A_182 = arith.constant 0 : i32
    %dma_start3A_183 = tpu.memref_slice %arg2[%dma_start3A_180, %dma_start3A_181, %dma_start3A_182] : memref<16x512x128xf32, #tpu.memory_space<vmem>> -> memref<1x512x128xf32, #tpu.memory_space<vmem>>
    %dma_start3A_184 = tpu.memref_squeeze %dma_start3A_183 : memref<1x512x128xf32, #tpu.memory_space<vmem>> -> memref<512x128xf32, #tpu.memory_space<vmem>>
    %dma_start3A_185 = arith.constant 8704 : i32
    %dma_start3A_186 = arith.constant 0 : i32
    %dma_start3A_187 = tpu.memref_slice %arg0[%dma_start3A_185, %dma_start3A_186] : memref<16384x128xf32, #tpu.memory_space<any>> -> memref<512x128xf32, #tpu.memory_space<any>>
    tpu.enqueue_dma source(%dma_start3A_187 : memref<512x128xf32, #tpu.memory_space<any>>) target(%dma_start3A_184 : memref<512x128xf32, #tpu.memory_space<vmem>>) target_semaphore(%arg4 : memref<!tpu.dma_semaphore, #tpu.memory_space<semaphore_mem>>)
    %slice3A_188 = vector.extract_strided_slice %reshape3A_179 {offsets = [0, 0, 0], sizes = [32, 8, 128], strides = [1, 1, 1]} : vector<64x8x128xf32> to vector<32x8x128xf32>
    %slice3A_189 = vector.extract_strided_slice %reshape3A_179 {offsets = [32, 0, 0], sizes = [32, 8, 128], strides = [1, 1, 1]} : vector<64x8x128xf32> to vector<32x8x128xf32>
    %add3A_190 = arith.addf %slice3A_188, %slice3A_189 : vector<32x8x128xf32>
    %slice3A_191 = vector.extract_strided_slice %add3A_190 {offsets = [0, 0, 0], sizes = [16, 8, 128], strides = [1, 1, 1]} : vector<32x8x128xf32> to vector<16x8x128xf32>
    %slice3A_192 = vector.extract_strided_slice %add3A_190 {offsets = [16, 0, 0], sizes = [16, 8, 128], strides = [1, 1, 1]} : vector<32x8x128xf32> to vector<16x8x128xf32>
    %add3A_193 = arith.addf %slice3A_191, %slice3A_192 : vector<16x8x128xf32>
    %slice3A_194 = vector.extract_strided_slice %add3A_193 {offsets = [0, 0, 0], sizes = [8, 8, 128], strides = [1, 1, 1]} : vector<16x8x128xf32> to vector<8x8x128xf32>
    %slice3A_195 = vector.extract_strided_slice %add3A_193 {offsets = [8, 0, 0], sizes = [8, 8, 128], strides = [1, 1, 1]} : vector<16x8x128xf32> to vector<8x8x128xf32>
    %add3A_196 = arith.addf %slice3A_194, %slice3A_195 : vector<8x8x128xf32>
    %slice3A_197 = vector.extract_strided_slice %add3A_196 {offsets = [0, 0, 0], sizes = [4, 8, 128], strides = [1, 1, 1]} : vector<8x8x128xf32> to vector<4x8x128xf32>
    %slice3A_198 = vector.extract_strided_slice %add3A_196 {offsets = [4, 0, 0], sizes = [4, 8, 128], strides = [1, 1, 1]} : vector<8x8x128xf32> to vector<4x8x128xf32>
    %add3A_199 = arith.addf %slice3A_197, %slice3A_198 : vector<4x8x128xf32>
    %slice3A_200 = vector.extract_strided_slice %add3A_199 {offsets = [0, 0, 0], sizes = [2, 8, 128], strides = [1, 1, 1]} : vector<4x8x128xf32> to vector<2x8x128xf32>
    %slice3A_201 = vector.extract_strided_slice %add3A_199 {offsets = [2, 0, 0], sizes = [2, 8, 128], strides = [1, 1, 1]} : vector<4x8x128xf32> to vector<2x8x128xf32>
    %add3A_202 = arith.addf %slice3A_200, %slice3A_201 : vector<2x8x128xf32>
    %slice3A_203 = vector.extract_strided_slice %add3A_202 {offsets = [0, 0, 0], sizes = [1, 8, 128], strides = [1, 1, 1]} : vector<2x8x128xf32> to vector<1x8x128xf32>
    %slice3A_204 = vector.extract_strided_slice %add3A_202 {offsets = [1, 0, 0], sizes = [1, 8, 128], strides = [1, 1, 1]} : vector<2x8x128xf32> to vector<1x8x128xf32>
    %add3A_205 = arith.addf %slice3A_203, %slice3A_204 : vector<1x8x128xf32>
    %squeeze3A_206 = vector.shape_cast %add3A_205 : vector<1x8x128xf32> to vector<8x128xf32>
    %reduce_sum3A_207 = arith.constant dense<0.000000e+00> : vector<128xf32>
    %reduce_sum3A_208 = vector.multi_reduction <add>, %squeeze3A_206, %reduce_sum3A_207 [0] : vector<8x128xf32> to vector<128xf32>
    %broadcast_in_dim3A_209 = vector.shape_cast %reduce_sum3A_208 : vector<128xf32> to vector<1x128xf32>
    %add3A_210 = arith.addf %add3A_165, %broadcast_in_dim3A_209 : vector<1x128xf32>
    %dma_wait3A_211 = arith.constant 2 : i32
    %dma_wait3A_212 = arith.constant 0 : i32
    %dma_wait3A_213 = arith.constant 0 : i32
    %dma_wait3A_214 = tpu.memref_slice %arg2[%dma_wait3A_211, %dma_wait3A_212, %dma_wait3A_213] : memref<16x512x128xf32, #tpu.memory_space<vmem>> -> memref<1x512x128xf32, #tpu.memory_space<vmem>>
    %dma_wait3A_215 = tpu.memref_squeeze %dma_wait3A_214 : memref<1x512x128xf32, #tpu.memory_space<vmem>> -> memref<512x128xf32, #tpu.memory_space<vmem>>
    %dma_wait3A_216 = arith.constant 1024 : i32
    %dma_wait3A_217 = arith.constant 0 : i32
    %dma_wait3A_218 = tpu.memref_slice %arg0[%dma_wait3A_216, %dma_wait3A_217] : memref<16384x128xf32, #tpu.memory_space<any>> -> memref<512x128xf32, #tpu.memory_space<any>>
    tpu.wait_dma2 semaphore(%arg5 : memref<!tpu.dma_semaphore, #tpu.memory_space<semaphore_mem>>) src(%dma_wait3A_218 : memref<512x128xf32, #tpu.memory_space<any>>) dst(%dma_wait3A_215 : memref<512x128xf32, #tpu.memory_space<vmem>>)
    %get3A_219 = arith.constant 2 : index
    %get3A_220 = arith.constant 0 : index
    %get3A_221 = arith.constant 0 : index
    %get3A_222 = vector.load %arg2[%get3A_219, %get3A_220, %get3A_221] : memref<16x512x128xf32, #tpu.memory_space<vmem>>, vector<1x512x128xf32>
    %get3A_223 = vector.shape_cast %get3A_222 : vector<1x512x128xf32> to vector<512x128xf32>
    %reshape3A_224 = vector.shape_cast %get3A_223 : vector<512x128xf32> to vector<64x8x128xf32>
    %dma_start3A_225 = arith.constant 2 : i32
    %dma_start3A_226 = arith.constant 0 : i32
    %dma_start3A_227 = arith.constant 0 : i32
    %dma_start3A_228 = tpu.memref_slice %arg2[%dma_start3A_225, %dma_start3A_226, %dma_start3A_227] : memref<16x512x128xf32, #tpu.memory_space<vmem>> -> memref<1x512x128xf32, #tpu.memory_space<vmem>>
    %dma_start3A_229 = tpu.memref_squeeze %dma_start3A_228 : memref<1x512x128xf32, #tpu.memory_space<vmem>> -> memref<512x128xf32, #tpu.memory_space<vmem>>
    %dma_start3A_230 = arith.constant 9216 : i32
    %dma_start3A_231 = arith.constant 0 : i32
    %dma_start3A_232 = tpu.memref_slice %arg0[%dma_start3A_230, %dma_start3A_231] : memref<16384x128xf32, #tpu.memory_space<any>> -> memref<512x128xf32, #tpu.memory_space<any>>
    tpu.enqueue_dma source(%dma_start3A_232 : memref<512x128xf32, #tpu.memory_space<any>>) target(%dma_start3A_229 : memref<512x128xf32, #tpu.memory_space<vmem>>) target_semaphore(%arg5 : memref<!tpu.dma_semaphore, #tpu.memory_space<semaphore_mem>>)
    %slice3A_233 = vector.extract_strided_slice %reshape3A_224 {offsets = [0, 0, 0], sizes = [32, 8, 128], strides = [1, 1, 1]} : vector<64x8x128xf32> to vector<32x8x128xf32>
    %slice3A_234 = vector.extract_strided_slice %reshape3A_224 {offsets = [32, 0, 0], sizes = [32, 8, 128], strides = [1, 1, 1]} : vector<64x8x128xf32> to vector<32x8x128xf32>
    %add3A_235 = arith.addf %slice3A_233, %slice3A_234 : vector<32x8x128xf32>
    %slice3A_236 = vector.extract_strided_slice %add3A_235 {offsets = [0, 0, 0], sizes = [16, 8, 128], strides = [1, 1, 1]} : vector<32x8x128xf32> to vector<16x8x128xf32>
    %slice3A_237 = vector.extract_strided_slice %add3A_235 {offsets = [16, 0, 0], sizes = [16, 8, 128], strides = [1, 1, 1]} : vector<32x8x128xf32> to vector<16x8x128xf32>
    %add3A_238 = arith.addf %slice3A_236, %slice3A_237 : vector<16x8x128xf32>
    %slice3A_239 = vector.extract_strided_slice %add3A_238 {offsets = [0, 0, 0], sizes = [8, 8, 128], strides = [1, 1, 1]} : vector<16x8x128xf32> to vector<8x8x128xf32>
    %slice3A_240 = vector.extract_strided_slice %add3A_238 {offsets = [8, 0, 0], sizes = [8, 8, 128], strides = [1, 1, 1]} : vector<16x8x128xf32> to vector<8x8x128xf32>
    %add3A_241 = arith.addf %slice3A_239, %slice3A_240 : vector<8x8x128xf32>
    %slice3A_242 = vector.extract_strided_slice %add3A_241 {offsets = [0, 0, 0], sizes = [4, 8, 128], strides = [1, 1, 1]} : vector<8x8x128xf32> to vector<4x8x128xf32>
    %slice3A_243 = vector.extract_strided_slice %add3A_241 {offsets = [4, 0, 0], sizes = [4, 8, 128], strides = [1, 1, 1]} : vector<8x8x128xf32> to vector<4x8x128xf32>
    %add3A_244 = arith.addf %slice3A_242, %slice3A_243 : vector<4x8x128xf32>
    %slice3A_245 = vector.extract_strided_slice %add3A_244 {offsets = [0, 0, 0], sizes = [2, 8, 128], strides = [1, 1, 1]} : vector<4x8x128xf32> to vector<2x8x128xf32>
    %slice3A_246 = vector.extract_strided_slice %add3A_244 {offsets = [2, 0, 0], sizes = [2, 8, 128], strides = [1, 1, 1]} : vector<4x8x128xf32> to vector<2x8x128xf32>
    %add3A_247 = arith.addf %slice3A_245, %slice3A_246 : vector<2x8x128xf32>
    %slice3A_248 = vector.extract_strided_slice %add3A_247 {offsets = [0, 0, 0], sizes = [1, 8, 128], strides = [1, 1, 1]} : vector<2x8x128xf32> to vector<1x8x128xf32>
    %slice3A_249 = vector.extract_strided_slice %add3A_247 {offsets = [1, 0, 0], sizes = [1, 8, 128], strides = [1, 1, 1]} : vector<2x8x128xf32> to vector<1x8x128xf32>
    %add3A_250 = arith.addf %slice3A_248, %slice3A_249 : vector<1x8x128xf32>
    %squeeze3A_251 = vector.shape_cast %add3A_250 : vector<1x8x128xf32> to vector<8x128xf32>
    %reduce_sum3A_252 = arith.constant dense<0.000000e+00> : vector<128xf32>
    %reduce_sum3A_253 = vector.multi_reduction <add>, %squeeze3A_251, %reduce_sum3A_252 [0] : vector<8x128xf32> to vector<128xf32>
    %broadcast_in_dim3A_254 = vector.shape_cast %reduce_sum3A_253 : vector<128xf32> to vector<1x128xf32>
    %add3A_255 = arith.addf %add3A_210, %broadcast_in_dim3A_254 : vector<1x128xf32>
    %dma_wait3A_256 = arith.constant 3 : i32
    %dma_wait3A_257 = arith.constant 0 : i32
    %dma_wait3A_258 = arith.constant 0 : i32
    %dma_wait3A_259 = tpu.memref_slice %arg2[%dma_wait3A_256, %dma_wait3A_257, %dma_wait3A_258] : memref<16x512x128xf32, #tpu.memory_space<vmem>> -> memref<1x512x128xf32, #tpu.memory_space<vmem>>
    %dma_wait3A_260 = tpu.memref_squeeze %dma_wait3A_259 : memref<1x512x128xf32, #tpu.memory_space<vmem>> -> memref<512x128xf32, #tpu.memory_space<vmem>>
    %dma_wait3A_261 = arith.constant 1536 : i32
    %dma_wait3A_262 = arith.constant 0 : i32
    %dma_wait3A_263 = tpu.memref_slice %arg0[%dma_wait3A_261, %dma_wait3A_262] : memref<16384x128xf32, #tpu.memory_space<any>> -> memref<512x128xf32, #tpu.memory_space<any>>
    tpu.wait_dma2 semaphore(%arg6 : memref<!tpu.dma_semaphore, #tpu.memory_space<semaphore_mem>>) src(%dma_wait3A_263 : memref<512x128xf32, #tpu.memory_space<any>>) dst(%dma_wait3A_260 : memref<512x128xf32, #tpu.memory_space<vmem>>)
    %get3A_264 = arith.constant 3 : index
    %get3A_265 = arith.constant 0 : index
    %get3A_266 = arith.constant 0 : index
    %get3A_267 = vector.load %arg2[%get3A_264, %get3A_265, %get3A_266] : memref<16x512x128xf32, #tpu.memory_space<vmem>>, vector<1x512x128xf32>
    %get3A_268 = vector.shape_cast %get3A_267 : vector<1x512x128xf32> to vector<512x128xf32>
    %reshape3A_269 = vector.shape_cast %get3A_268 : vector<512x128xf32> to vector<64x8x128xf32>
    %dma_start3A_270 = arith.constant 3 : i32
    %dma_start3A_271 = arith.constant 0 : i32
    %dma_start3A_272 = arith.constant 0 : i32
    %dma_start3A_273 = tpu.memref_slice %arg2[%dma_start3A_270, %dma_start3A_271, %dma_start3A_272] : memref<16x512x128xf32, #tpu.memory_space<vmem>> -> memref<1x512x128xf32, #tpu.memory_space<vmem>>
    %dma_start3A_274 = tpu.memref_squeeze %dma_start3A_273 : memref<1x512x128xf32, #tpu.memory_space<vmem>> -> memref<512x128xf32, #tpu.memory_space<vmem>>
    %dma_start3A_275 = arith.constant 9728 : i32
    %dma_start3A_276 = arith.constant 0 : i32
    %dma_start3A_277 = tpu.memref_slice %arg0[%dma_start3A_275, %dma_start3A_276] : memref<16384x128xf32, #tpu.memory_space<any>> -> memref<512x128xf32, #tpu.memory_space<any>>
    tpu.enqueue_dma source(%dma_start3A_277 : memref<512x128xf32, #tpu.memory_space<any>>) target(%dma_start3A_274 : memref<512x128xf32, #tpu.memory_space<vmem>>) target_semaphore(%arg6 : memref<!tpu.dma_semaphore, #tpu.memory_space<semaphore_mem>>)
    %slice3A_278 = vector.extract_strided_slice %reshape3A_269 {offsets = [0, 0, 0], sizes = [32, 8, 128], strides = [1, 1, 1]} : vector<64x8x128xf32> to vector<32x8x128xf32>
    %slice3A_279 = vector.extract_strided_slice %reshape3A_269 {offsets = [32, 0, 0], sizes = [32, 8, 128], strides = [1, 1, 1]} : vector<64x8x128xf32> to vector<32x8x128xf32>
    %add3A_280 = arith.addf %slice3A_278, %slice3A_279 : vector<32x8x128xf32>
    %slice3A_281 = vector.extract_strided_slice %add3A_280 {offsets = [0, 0, 0], sizes = [16, 8, 128], strides = [1, 1, 1]} : vector<32x8x128xf32> to vector<16x8x128xf32>
    %slice3A_282 = vector.extract_strided_slice %add3A_280 {offsets = [16, 0, 0], sizes = [16, 8, 128], strides = [1, 1, 1]} : vector<32x8x128xf32> to vector<16x8x128xf32>
    %add3A_283 = arith.addf %slice3A_281, %slice3A_282 : vector<16x8x128xf32>
    %slice3A_284 = vector.extract_strided_slice %add3A_283 {offsets = [0, 0, 0], sizes = [8, 8, 128], strides = [1, 1, 1]} : vector<16x8x128xf32> to vector<8x8x128xf32>
    %slice3A_285 = vector.extract_strided_slice %add3A_283 {offsets = [8, 0, 0], sizes = [8, 8, 128], strides = [1, 1, 1]} : vector<16x8x128xf32> to vector<8x8x128xf32>
    %add3A_286 = arith.addf %slice3A_284, %slice3A_285 : vector<8x8x128xf32>
    %slice3A_287 = vector.extract_strided_slice %add3A_286 {offsets = [0, 0, 0], sizes = [4, 8, 128], strides = [1, 1, 1]} : vector<8x8x128xf32> to vector<4x8x128xf32>
    %slice3A_288 = vector.extract_strided_slice %add3A_286 {offsets = [4, 0, 0], sizes = [4, 8, 128], strides = [1, 1, 1]} : vector<8x8x128xf32> to vector<4x8x128xf32>
    %add3A_289 = arith.addf %slice3A_287, %slice3A_288 : vector<4x8x128xf32>
    %slice3A_290 = vector.extract_strided_slice %add3A_289 {offsets = [0, 0, 0], sizes = [2, 8, 128], strides = [1, 1, 1]} : vector<4x8x128xf32> to vector<2x8x128xf32>
    %slice3A_291 = vector.extract_strided_slice %add3A_289 {offsets = [2, 0, 0], sizes = [2, 8, 128], strides = [1, 1, 1]} : vector<4x8x128xf32> to vector<2x8x128xf32>
    %add3A_292 = arith.addf %slice3A_290, %slice3A_291 : vector<2x8x128xf32>
    %slice3A_293 = vector.extract_strided_slice %add3A_292 {offsets = [0, 0, 0], sizes = [1, 8, 128], strides = [1, 1, 1]} : vector<2x8x128xf32> to vector<1x8x128xf32>
    %slice3A_294 = vector.extract_strided_slice %add3A_292 {offsets = [1, 0, 0], sizes = [1, 8, 128], strides = [1, 1, 1]} : vector<2x8x128xf32> to vector<1x8x128xf32>
    %add3A_295 = arith.addf %slice3A_293, %slice3A_294 : vector<1x8x128xf32>
    %squeeze3A_296 = vector.shape_cast %add3A_295 : vector<1x8x128xf32> to vector<8x128xf32>
    %reduce_sum3A_297 = arith.constant dense<0.000000e+00> : vector<128xf32>
    %reduce_sum3A_298 = vector.multi_reduction <add>, %squeeze3A_296, %reduce_sum3A_297 [0] : vector<8x128xf32> to vector<128xf32>
    %broadcast_in_dim3A_299 = vector.shape_cast %reduce_sum3A_298 : vector<128xf32> to vector<1x128xf32>
    %add3A_300 = arith.addf %add3A_255, %broadcast_in_dim3A_299 : vector<1x128xf32>
    %dma_wait3A_301 = arith.constant 4 : i32
    %dma_wait3A_302 = arith.constant 0 : i32
    %dma_wait3A_303 = arith.constant 0 : i32
    %dma_wait3A_304 = tpu.memref_slice %arg2[%dma_wait3A_301, %dma_wait3A_302, %dma_wait3A_303] : memref<16x512x128xf32, #tpu.memory_space<vmem>> -> memref<1x512x128xf32, #tpu.memory_space<vmem>>
    %dma_wait3A_305 = tpu.memref_squeeze %dma_wait3A_304 : memref<1x512x128xf32, #tpu.memory_space<vmem>> -> memref<512x128xf32, #tpu.memory_space<vmem>>
    %dma_wait3A_306 = arith.constant 2048 : i32
    %dma_wait3A_307 = arith.constant 0 : i32
    %dma_wait3A_308 = tpu.memref_slice %arg0[%dma_wait3A_306, %dma_wait3A_307] : memref<16384x128xf32, #tpu.memory_space<any>> -> memref<512x128xf32, #tpu.memory_space<any>>
    tpu.wait_dma2 semaphore(%arg7 : memref<!tpu.dma_semaphore, #tpu.memory_space<semaphore_mem>>) src(%dma_wait3A_308 : memref<512x128xf32, #tpu.memory_space<any>>) dst(%dma_wait3A_305 : memref<512x128xf32, #tpu.memory_space<vmem>>)
    %get3A_309 = arith.constant 4 : index
    %get3A_310 = arith.constant 0 : index
    %get3A_311 = arith.constant 0 : index
    %get3A_312 = vector.load %arg2[%get3A_309, %get3A_310, %get3A_311] : memref<16x512x128xf32, #tpu.memory_space<vmem>>, vector<1x512x128xf32>
    %get3A_313 = vector.shape_cast %get3A_312 : vector<1x512x128xf32> to vector<512x128xf32>
    %reshape3A_314 = vector.shape_cast %get3A_313 : vector<512x128xf32> to vector<64x8x128xf32>
    %dma_start3A_315 = arith.constant 4 : i32
    %dma_start3A_316 = arith.constant 0 : i32
    %dma_start3A_317 = arith.constant 0 : i32
    %dma_start3A_318 = tpu.memref_slice %arg2[%dma_start3A_315, %dma_start3A_316, %dma_start3A_317] : memref<16x512x128xf32, #tpu.memory_space<vmem>> -> memref<1x512x128xf32, #tpu.memory_space<vmem>>
    %dma_start3A_319 = tpu.memref_squeeze %dma_start3A_318 : memref<1x512x128xf32, #tpu.memory_space<vmem>> -> memref<512x128xf32, #tpu.memory_space<vmem>>
    %dma_start3A_320 = arith.constant 10240 : i32
    %dma_start3A_321 = arith.constant 0 : i32
    %dma_start3A_322 = tpu.memref_slice %arg0[%dma_start3A_320, %dma_start3A_321] : memref<16384x128xf32, #tpu.memory_space<any>> -> memref<512x128xf32, #tpu.memory_space<any>>
    tpu.enqueue_dma source(%dma_start3A_322 : memref<512x128xf32, #tpu.memory_space<any>>) target(%dma_start3A_319 : memref<512x128xf32, #tpu.memory_space<vmem>>) target_semaphore(%arg7 : memref<!tpu.dma_semaphore, #tpu.memory_space<semaphore_mem>>)
    %slice3A_323 = vector.extract_strided_slice %reshape3A_314 {offsets = [0, 0, 0], sizes = [32, 8, 128], strides = [1, 1, 1]} : vector<64x8x128xf32> to vector<32x8x128xf32>
    %slice3A_324 = vector.extract_strided_slice %reshape3A_314 {offsets = [32, 0, 0], sizes = [32, 8, 128], strides = [1, 1, 1]} : vector<64x8x128xf32> to vector<32x8x128xf32>
    %add3A_325 = arith.addf %slice3A_323, %slice3A_324 : vector<32x8x128xf32>
    %slice3A_326 = vector.extract_strided_slice %add3A_325 {offsets = [0, 0, 0], sizes = [16, 8, 128], strides = [1, 1, 1]} : vector<32x8x128xf32> to vector<16x8x128xf32>
    %slice3A_327 = vector.extract_strided_slice %add3A_325 {offsets = [16, 0, 0], sizes = [16, 8, 128], strides = [1, 1, 1]} : vector<32x8x128xf32> to vector<16x8x128xf32>
    %add3A_328 = arith.addf %slice3A_326, %slice3A_327 : vector<16x8x128xf32>
    %slice3A_329 = vector.extract_strided_slice %add3A_328 {offsets = [0, 0, 0], sizes = [8, 8, 128], strides = [1, 1, 1]} : vector<16x8x128xf32> to vector<8x8x128xf32>
    %slice3A_330 = vector.extract_strided_slice %add3A_328 {offsets = [8, 0, 0], sizes = [8, 8, 128], strides = [1, 1, 1]} : vector<16x8x128xf32> to vector<8x8x128xf32>
    %add3A_331 = arith.addf %slice3A_329, %slice3A_330 : vector<8x8x128xf32>
    %slice3A_332 = vector.extract_strided_slice %add3A_331 {offsets = [0, 0, 0], sizes = [4, 8, 128], strides = [1, 1, 1]} : vector<8x8x128xf32> to vector<4x8x128xf32>
    %slice3A_333 = vector.extract_strided_slice %add3A_331 {offsets = [4, 0, 0], sizes = [4, 8, 128], strides = [1, 1, 1]} : vector<8x8x128xf32> to vector<4x8x128xf32>
    %add3A_334 = arith.addf %slice3A_332, %slice3A_333 : vector<4x8x128xf32>
    %slice3A_335 = vector.extract_strided_slice %add3A_334 {offsets = [0, 0, 0], sizes = [2, 8, 128], strides = [1, 1, 1]} : vector<4x8x128xf32> to vector<2x8x128xf32>
    %slice3A_336 = vector.extract_strided_slice %add3A_334 {offsets = [2, 0, 0], sizes = [2, 8, 128], strides = [1, 1, 1]} : vector<4x8x128xf32> to vector<2x8x128xf32>
    %add3A_337 = arith.addf %slice3A_335, %slice3A_336 : vector<2x8x128xf32>
    %slice3A_338 = vector.extract_strided_slice %add3A_337 {offsets = [0, 0, 0], sizes = [1, 8, 128], strides = [1, 1, 1]} : vector<2x8x128xf32> to vector<1x8x128xf32>
    %slice3A_339 = vector.extract_strided_slice %add3A_337 {offsets = [1, 0, 0], sizes = [1, 8, 128], strides = [1, 1, 1]} : vector<2x8x128xf32> to vector<1x8x128xf32>
    %add3A_340 = arith.addf %slice3A_338, %slice3A_339 : vector<1x8x128xf32>
    %squeeze3A_341 = vector.shape_cast %add3A_340 : vector<1x8x128xf32> to vector<8x128xf32>
    %reduce_sum3A_342 = arith.constant dense<0.000000e+00> : vector<128xf32>
    %reduce_sum3A_343 = vector.multi_reduction <add>, %squeeze3A_341, %reduce_sum3A_342 [0] : vector<8x128xf32> to vector<128xf32>
    %broadcast_in_dim3A_344 = vector.shape_cast %reduce_sum3A_343 : vector<128xf32> to vector<1x128xf32>
    %add3A_345 = arith.addf %add3A_300, %broadcast_in_dim3A_344 : vector<1x128xf32>
    %dma_wait3A_346 = arith.constant 5 : i32
    %dma_wait3A_347 = arith.constant 0 : i32
    %dma_wait3A_348 = arith.constant 0 : i32
    %dma_wait3A_349 = tpu.memref_slice %arg2[%dma_wait3A_346, %dma_wait3A_347, %dma_wait3A_348] : memref<16x512x128xf32, #tpu.memory_space<vmem>> -> memref<1x512x128xf32, #tpu.memory_space<vmem>>
    %dma_wait3A_350 = tpu.memref_squeeze %dma_wait3A_349 : memref<1x512x128xf32, #tpu.memory_space<vmem>> -> memref<512x128xf32, #tpu.memory_space<vmem>>
    %dma_wait3A_351 = arith.constant 2560 : i32
    %dma_wait3A_352 = arith.constant 0 : i32
    %dma_wait3A_353 = tpu.memref_slice %arg0[%dma_wait3A_351, %dma_wait3A_352] : memref<16384x128xf32, #tpu.memory_space<any>> -> memref<512x128xf32, #tpu.memory_space<any>>
    tpu.wait_dma2 semaphore(%arg8 : memref<!tpu.dma_semaphore, #tpu.memory_space<semaphore_mem>>) src(%dma_wait3A_353 : memref<512x128xf32, #tpu.memory_space<any>>) dst(%dma_wait3A_350 : memref<512x128xf32, #tpu.memory_space<vmem>>)
    %get3A_354 = arith.constant 5 : index
    %get3A_355 = arith.constant 0 : index
    %get3A_356 = arith.constant 0 : index
    %get3A_357 = vector.load %arg2[%get3A_354, %get3A_355, %get3A_356] : memref<16x512x128xf32, #tpu.memory_space<vmem>>, vector<1x512x128xf32>
    %get3A_358 = vector.shape_cast %get3A_357 : vector<1x512x128xf32> to vector<512x128xf32>
    %reshape3A_359 = vector.shape_cast %get3A_358 : vector<512x128xf32> to vector<64x8x128xf32>
    %dma_start3A_360 = arith.constant 5 : i32
    %dma_start3A_361 = arith.constant 0 : i32
    %dma_start3A_362 = arith.constant 0 : i32
    %dma_start3A_363 = tpu.memref_slice %arg2[%dma_start3A_360, %dma_start3A_361, %dma_start3A_362] : memref<16x512x128xf32, #tpu.memory_space<vmem>> -> memref<1x512x128xf32, #tpu.memory_space<vmem>>
    %dma_start3A_364 = tpu.memref_squeeze %dma_start3A_363 : memref<1x512x128xf32, #tpu.memory_space<vmem>> -> memref<512x128xf32, #tpu.memory_space<vmem>>
    %dma_start3A_365 = arith.constant 10752 : i32
    %dma_start3A_366 = arith.constant 0 : i32
    %dma_start3A_367 = tpu.memref_slice %arg0[%dma_start3A_365, %dma_start3A_366] : memref<16384x128xf32, #tpu.memory_space<any>> -> memref<512x128xf32, #tpu.memory_space<any>>
    tpu.enqueue_dma source(%dma_start3A_367 : memref<512x128xf32, #tpu.memory_space<any>>) target(%dma_start3A_364 : memref<512x128xf32, #tpu.memory_space<vmem>>) target_semaphore(%arg8 : memref<!tpu.dma_semaphore, #tpu.memory_space<semaphore_mem>>)
    %slice3A_368 = vector.extract_strided_slice %reshape3A_359 {offsets = [0, 0, 0], sizes = [32, 8, 128], strides = [1, 1, 1]} : vector<64x8x128xf32> to vector<32x8x128xf32>
    %slice3A_369 = vector.extract_strided_slice %reshape3A_359 {offsets = [32, 0, 0], sizes = [32, 8, 128], strides = [1, 1, 1]} : vector<64x8x128xf32> to vector<32x8x128xf32>
    %add3A_370 = arith.addf %slice3A_368, %slice3A_369 : vector<32x8x128xf32>
    %slice3A_371 = vector.extract_strided_slice %add3A_370 {offsets = [0, 0, 0], sizes = [16, 8, 128], strides = [1, 1, 1]} : vector<32x8x128xf32> to vector<16x8x128xf32>
    %slice3A_372 = vector.extract_strided_slice %add3A_370 {offsets = [16, 0, 0], sizes = [16, 8, 128], strides = [1, 1, 1]} : vector<32x8x128xf32> to vector<16x8x128xf32>
    %add3A_373 = arith.addf %slice3A_371, %slice3A_372 : vector<16x8x128xf32>
    %slice3A_374 = vector.extract_strided_slice %add3A_373 {offsets = [0, 0, 0], sizes = [8, 8, 128], strides = [1, 1, 1]} : vector<16x8x128xf32> to vector<8x8x128xf32>
    %slice3A_375 = vector.extract_strided_slice %add3A_373 {offsets = [8, 0, 0], sizes = [8, 8, 128], strides = [1, 1, 1]} : vector<16x8x128xf32> to vector<8x8x128xf32>
    %add3A_376 = arith.addf %slice3A_374, %slice3A_375 : vector<8x8x128xf32>
    %slice3A_377 = vector.extract_strided_slice %add3A_376 {offsets = [0, 0, 0], sizes = [4, 8, 128], strides = [1, 1, 1]} : vector<8x8x128xf32> to vector<4x8x128xf32>
    %slice3A_378 = vector.extract_strided_slice %add3A_376 {offsets = [4, 0, 0], sizes = [4, 8, 128], strides = [1, 1, 1]} : vector<8x8x128xf32> to vector<4x8x128xf32>
    %add3A_379 = arith.addf %slice3A_377, %slice3A_378 : vector<4x8x128xf32>
    %slice3A_380 = vector.extract_strided_slice %add3A_379 {offsets = [0, 0, 0], sizes = [2, 8, 128], strides = [1, 1, 1]} : vector<4x8x128xf32> to vector<2x8x128xf32>
    %slice3A_381 = vector.extract_strided_slice %add3A_379 {offsets = [2, 0, 0], sizes = [2, 8, 128], strides = [1, 1, 1]} : vector<4x8x128xf32> to vector<2x8x128xf32>
    %add3A_382 = arith.addf %slice3A_380, %slice3A_381 : vector<2x8x128xf32>
    %slice3A_383 = vector.extract_strided_slice %add3A_382 {offsets = [0, 0, 0], sizes = [1, 8, 128], strides = [1, 1, 1]} : vector<2x8x128xf32> to vector<1x8x128xf32>
    %slice3A_384 = vector.extract_strided_slice %add3A_382 {offsets = [1, 0, 0], sizes = [1, 8, 128], strides = [1, 1, 1]} : vector<2x8x128xf32> to vector<1x8x128xf32>
    %add3A_385 = arith.addf %slice3A_383, %slice3A_384 : vector<1x8x128xf32>
    %squeeze3A_386 = vector.shape_cast %add3A_385 : vector<1x8x128xf32> to vector<8x128xf32>
    %reduce_sum3A_387 = arith.constant dense<0.000000e+00> : vector<128xf32>
    %reduce_sum3A_388 = vector.multi_reduction <add>, %squeeze3A_386, %reduce_sum3A_387 [0] : vector<8x128xf32> to vector<128xf32>
    %broadcast_in_dim3A_389 = vector.shape_cast %reduce_sum3A_388 : vector<128xf32> to vector<1x128xf32>
    %add3A_390 = arith.addf %add3A_345, %broadcast_in_dim3A_389 : vector<1x128xf32>
    %dma_wait3A_391 = arith.constant 6 : i32
    %dma_wait3A_392 = arith.constant 0 : i32
    %dma_wait3A_393 = arith.constant 0 : i32
    %dma_wait3A_394 = tpu.memref_slice %arg2[%dma_wait3A_391, %dma_wait3A_392, %dma_wait3A_393] : memref<16x512x128xf32, #tpu.memory_space<vmem>> -> memref<1x512x128xf32, #tpu.memory_space<vmem>>
    %dma_wait3A_395 = tpu.memref_squeeze %dma_wait3A_394 : memref<1x512x128xf32, #tpu.memory_space<vmem>> -> memref<512x128xf32, #tpu.memory_space<vmem>>
    %dma_wait3A_396 = arith.constant 3072 : i32
    %dma_wait3A_397 = arith.constant 0 : i32
    %dma_wait3A_398 = tpu.memref_slice %arg0[%dma_wait3A_396, %dma_wait3A_397] : memref<16384x128xf32, #tpu.memory_space<any>> -> memref<512x128xf32, #tpu.memory_space<any>>
    tpu.wait_dma2 semaphore(%arg9 : memref<!tpu.dma_semaphore, #tpu.memory_space<semaphore_mem>>) src(%dma_wait3A_398 : memref<512x128xf32, #tpu.memory_space<any>>) dst(%dma_wait3A_395 : memref<512x128xf32, #tpu.memory_space<vmem>>)
    %get3A_399 = arith.constant 6 : index
    %get3A_400 = arith.constant 0 : index
    %get3A_401 = arith.constant 0 : index
    %get3A_402 = vector.load %arg2[%get3A_399, %get3A_400, %get3A_401] : memref<16x512x128xf32, #tpu.memory_space<vmem>>, vector<1x512x128xf32>
    %get3A_403 = vector.shape_cast %get3A_402 : vector<1x512x128xf32> to vector<512x128xf32>
    %reshape3A_404 = vector.shape_cast %get3A_403 : vector<512x128xf32> to vector<64x8x128xf32>
    %dma_start3A_405 = arith.constant 6 : i32
    %dma_start3A_406 = arith.constant 0 : i32
    %dma_start3A_407 = arith.constant 0 : i32
    %dma_start3A_408 = tpu.memref_slice %arg2[%dma_start3A_405, %dma_start3A_406, %dma_start3A_407] : memref<16x512x128xf32, #tpu.memory_space<vmem>> -> memref<1x512x128xf32, #tpu.memory_space<vmem>>
    %dma_start3A_409 = tpu.memref_squeeze %dma_start3A_408 : memref<1x512x128xf32, #tpu.memory_space<vmem>> -> memref<512x128xf32, #tpu.memory_space<vmem>>
    %dma_start3A_410 = arith.constant 11264 : i32
    %dma_start3A_411 = arith.constant 0 : i32
    %dma_start3A_412 = tpu.memref_slice %arg0[%dma_start3A_410, %dma_start3A_411] : memref<16384x128xf32, #tpu.memory_space<any>> -> memref<512x128xf32, #tpu.memory_space<any>>
    tpu.enqueue_dma source(%dma_start3A_412 : memref<512x128xf32, #tpu.memory_space<any>>) target(%dma_start3A_409 : memref<512x128xf32, #tpu.memory_space<vmem>>) target_semaphore(%arg9 : memref<!tpu.dma_semaphore, #tpu.memory_space<semaphore_mem>>)
    %slice3A_413 = vector.extract_strided_slice %reshape3A_404 {offsets = [0, 0, 0], sizes = [32, 8, 128], strides = [1, 1, 1]} : vector<64x8x128xf32> to vector<32x8x128xf32>
    %slice3A_414 = vector.extract_strided_slice %reshape3A_404 {offsets = [32, 0, 0], sizes = [32, 8, 128], strides = [1, 1, 1]} : vector<64x8x128xf32> to vector<32x8x128xf32>
    %add3A_415 = arith.addf %slice3A_413, %slice3A_414 : vector<32x8x128xf32>
    %slice3A_416 = vector.extract_strided_slice %add3A_415 {offsets = [0, 0, 0], sizes = [16, 8, 128], strides = [1, 1, 1]} : vector<32x8x128xf32> to vector<16x8x128xf32>
    %slice3A_417 = vector.extract_strided_slice %add3A_415 {offsets = [16, 0, 0], sizes = [16, 8, 128], strides = [1, 1, 1]} : vector<32x8x128xf32> to vector<16x8x128xf32>
    %add3A_418 = arith.addf %slice3A_416, %slice3A_417 : vector<16x8x128xf32>
    %slice3A_419 = vector.extract_strided_slice %add3A_418 {offsets = [0, 0, 0], sizes = [8, 8, 128], strides = [1, 1, 1]} : vector<16x8x128xf32> to vector<8x8x128xf32>
    %slice3A_420 = vector.extract_strided_slice %add3A_418 {offsets = [8, 0, 0], sizes = [8, 8, 128], strides = [1, 1, 1]} : vector<16x8x128xf32> to vector<8x8x128xf32>
    %add3A_421 = arith.addf %slice3A_419, %slice3A_420 : vector<8x8x128xf32>
    %slice3A_422 = vector.extract_strided_slice %add3A_421 {offsets = [0, 0, 0], sizes = [4, 8, 128], strides = [1, 1, 1]} : vector<8x8x128xf32> to vector<4x8x128xf32>
    %slice3A_423 = vector.extract_strided_slice %add3A_421 {offsets = [4, 0, 0], sizes = [4, 8, 128], strides = [1, 1, 1]} : vector<8x8x128xf32> to vector<4x8x128xf32>
    %add3A_424 = arith.addf %slice3A_422, %slice3A_423 : vector<4x8x128xf32>
    %slice3A_425 = vector.extract_strided_slice %add3A_424 {offsets = [0, 0, 0], sizes = [2, 8, 128], strides = [1, 1, 1]} : vector<4x8x128xf32> to vector<2x8x128xf32>
    %slice3A_426 = vector.extract_strided_slice %add3A_424 {offsets = [2, 0, 0], sizes = [2, 8, 128], strides = [1, 1, 1]} : vector<4x8x128xf32> to vector<2x8x128xf32>
    %add3A_427 = arith.addf %slice3A_425, %slice3A_426 : vector<2x8x128xf32>
    %slice3A_428 = vector.extract_strided_slice %add3A_427 {offsets = [0, 0, 0], sizes = [1, 8, 128], strides = [1, 1, 1]} : vector<2x8x128xf32> to vector<1x8x128xf32>
    %slice3A_429 = vector.extract_strided_slice %add3A_427 {offsets = [1, 0, 0], sizes = [1, 8, 128], strides = [1, 1, 1]} : vector<2x8x128xf32> to vector<1x8x128xf32>
    %add3A_430 = arith.addf %slice3A_428, %slice3A_429 : vector<1x8x128xf32>
    %squeeze3A_431 = vector.shape_cast %add3A_430 : vector<1x8x128xf32> to vector<8x128xf32>
    %reduce_sum3A_432 = arith.constant dense<0.000000e+00> : vector<128xf32>
    %reduce_sum3A_433 = vector.multi_reduction <add>, %squeeze3A_431, %reduce_sum3A_432 [0] : vector<8x128xf32> to vector<128xf32>
    %broadcast_in_dim3A_434 = vector.shape_cast %reduce_sum3A_433 : vector<128xf32> to vector<1x128xf32>
    %add3A_435 = arith.addf %add3A_390, %broadcast_in_dim3A_434 : vector<1x128xf32>
    %dma_wait3A_436 = arith.constant 7 : i32
    %dma_wait3A_437 = arith.constant 0 : i32
    %dma_wait3A_438 = arith.constant 0 : i32
    %dma_wait3A_439 = tpu.memref_slice %arg2[%dma_wait3A_436, %dma_wait3A_437, %dma_wait3A_438] : memref<16x512x128xf32, #tpu.memory_space<vmem>> -> memref<1x512x128xf32, #tpu.memory_space<vmem>>
    %dma_wait3A_440 = tpu.memref_squeeze %dma_wait3A_439 : memref<1x512x128xf32, #tpu.memory_space<vmem>> -> memref<512x128xf32, #tpu.memory_space<vmem>>
    %dma_wait3A_441 = arith.constant 3584 : i32
    %dma_wait3A_442 = arith.constant 0 : i32
    %dma_wait3A_443 = tpu.memref_slice %arg0[%dma_wait3A_441, %dma_wait3A_442] : memref<16384x128xf32, #tpu.memory_space<any>> -> memref<512x128xf32, #tpu.memory_space<any>>
    tpu.wait_dma2 semaphore(%arg10 : memref<!tpu.dma_semaphore, #tpu.memory_space<semaphore_mem>>) src(%dma_wait3A_443 : memref<512x128xf32, #tpu.memory_space<any>>) dst(%dma_wait3A_440 : memref<512x128xf32, #tpu.memory_space<vmem>>)
    %get3A_444 = arith.constant 7 : index
    %get3A_445 = arith.constant 0 : index
    %get3A_446 = arith.constant 0 : index
    %get3A_447 = vector.load %arg2[%get3A_444, %get3A_445, %get3A_446] : memref<16x512x128xf32, #tpu.memory_space<vmem>>, vector<1x512x128xf32>
    %get3A_448 = vector.shape_cast %get3A_447 : vector<1x512x128xf32> to vector<512x128xf32>
    %reshape3A_449 = vector.shape_cast %get3A_448 : vector<512x128xf32> to vector<64x8x128xf32>
    %dma_start3A_450 = arith.constant 7 : i32
    %dma_start3A_451 = arith.constant 0 : i32
    %dma_start3A_452 = arith.constant 0 : i32
    %dma_start3A_453 = tpu.memref_slice %arg2[%dma_start3A_450, %dma_start3A_451, %dma_start3A_452] : memref<16x512x128xf32, #tpu.memory_space<vmem>> -> memref<1x512x128xf32, #tpu.memory_space<vmem>>
    %dma_start3A_454 = tpu.memref_squeeze %dma_start3A_453 : memref<1x512x128xf32, #tpu.memory_space<vmem>> -> memref<512x128xf32, #tpu.memory_space<vmem>>
    %dma_start3A_455 = arith.constant 11776 : i32
    %dma_start3A_456 = arith.constant 0 : i32
    %dma_start3A_457 = tpu.memref_slice %arg0[%dma_start3A_455, %dma_start3A_456] : memref<16384x128xf32, #tpu.memory_space<any>> -> memref<512x128xf32, #tpu.memory_space<any>>
    tpu.enqueue_dma source(%dma_start3A_457 : memref<512x128xf32, #tpu.memory_space<any>>) target(%dma_start3A_454 : memref<512x128xf32, #tpu.memory_space<vmem>>) target_semaphore(%arg10 : memref<!tpu.dma_semaphore, #tpu.memory_space<semaphore_mem>>)
    %slice3A_458 = vector.extract_strided_slice %reshape3A_449 {offsets = [0, 0, 0], sizes = [32, 8, 128], strides = [1, 1, 1]} : vector<64x8x128xf32> to vector<32x8x128xf32>
    %slice3A_459 = vector.extract_strided_slice %reshape3A_449 {offsets = [32, 0, 0], sizes = [32, 8, 128], strides = [1, 1, 1]} : vector<64x8x128xf32> to vector<32x8x128xf32>
    %add3A_460 = arith.addf %slice3A_458, %slice3A_459 : vector<32x8x128xf32>
    %slice3A_461 = vector.extract_strided_slice %add3A_460 {offsets = [0, 0, 0], sizes = [16, 8, 128], strides = [1, 1, 1]} : vector<32x8x128xf32> to vector<16x8x128xf32>
    %slice3A_462 = vector.extract_strided_slice %add3A_460 {offsets = [16, 0, 0], sizes = [16, 8, 128], strides = [1, 1, 1]} : vector<32x8x128xf32> to vector<16x8x128xf32>
    %add3A_463 = arith.addf %slice3A_461, %slice3A_462 : vector<16x8x128xf32>
    %slice3A_464 = vector.extract_strided_slice %add3A_463 {offsets = [0, 0, 0], sizes = [8, 8, 128], strides = [1, 1, 1]} : vector<16x8x128xf32> to vector<8x8x128xf32>
    %slice3A_465 = vector.extract_strided_slice %add3A_463 {offsets = [8, 0, 0], sizes = [8, 8, 128], strides = [1, 1, 1]} : vector<16x8x128xf32> to vector<8x8x128xf32>
    %add3A_466 = arith.addf %slice3A_464, %slice3A_465 : vector<8x8x128xf32>
    %slice3A_467 = vector.extract_strided_slice %add3A_466 {offsets = [0, 0, 0], sizes = [4, 8, 128], strides = [1, 1, 1]} : vector<8x8x128xf32> to vector<4x8x128xf32>
    %slice3A_468 = vector.extract_strided_slice %add3A_466 {offsets = [4, 0, 0], sizes = [4, 8, 128], strides = [1, 1, 1]} : vector<8x8x128xf32> to vector<4x8x128xf32>
    %add3A_469 = arith.addf %slice3A_467, %slice3A_468 : vector<4x8x128xf32>
    %slice3A_470 = vector.extract_strided_slice %add3A_469 {offsets = [0, 0, 0], sizes = [2, 8, 128], strides = [1, 1, 1]} : vector<4x8x128xf32> to vector<2x8x128xf32>
    %slice3A_471 = vector.extract_strided_slice %add3A_469 {offsets = [2, 0, 0], sizes = [2, 8, 128], strides = [1, 1, 1]} : vector<4x8x128xf32> to vector<2x8x128xf32>
    %add3A_472 = arith.addf %slice3A_470, %slice3A_471 : vector<2x8x128xf32>
    %slice3A_473 = vector.extract_strided_slice %add3A_472 {offsets = [0, 0, 0], sizes = [1, 8, 128], strides = [1, 1, 1]} : vector<2x8x128xf32> to vector<1x8x128xf32>
    %slice3A_474 = vector.extract_strided_slice %add3A_472 {offsets = [1, 0, 0], sizes = [1, 8, 128], strides = [1, 1, 1]} : vector<2x8x128xf32> to vector<1x8x128xf32>
    %add3A_475 = arith.addf %slice3A_473, %slice3A_474 : vector<1x8x128xf32>
    %squeeze3A_476 = vector.shape_cast %add3A_475 : vector<1x8x128xf32> to vector<8x128xf32>
    %reduce_sum3A_477 = arith.constant dense<0.000000e+00> : vector<128xf32>
    %reduce_sum3A_478 = vector.multi_reduction <add>, %squeeze3A_476, %reduce_sum3A_477 [0] : vector<8x128xf32> to vector<128xf32>
    %broadcast_in_dim3A_479 = vector.shape_cast %reduce_sum3A_478 : vector<128xf32> to vector<1x128xf32>
    %add3A_480 = arith.addf %add3A_435, %broadcast_in_dim3A_479 : vector<1x128xf32>
    %dma_wait3A_481 = arith.constant 8 : i32
    %dma_wait3A_482 = arith.constant 0 : i32
    %dma_wait3A_483 = arith.constant 0 : i32
    %dma_wait3A_484 = tpu.memref_slice %arg2[%dma_wait3A_481, %dma_wait3A_482, %dma_wait3A_483] : memref<16x512x128xf32, #tpu.memory_space<vmem>> -> memref<1x512x128xf32, #tpu.memory_space<vmem>>
    %dma_wait3A_485 = tpu.memref_squeeze %dma_wait3A_484 : memref<1x512x128xf32, #tpu.memory_space<vmem>> -> memref<512x128xf32, #tpu.memory_space<vmem>>
    %dma_wait3A_486 = arith.constant 4096 : i32
    %dma_wait3A_487 = arith.constant 0 : i32
    %dma_wait3A_488 = tpu.memref_slice %arg0[%dma_wait3A_486, %dma_wait3A_487] : memref<16384x128xf32, #tpu.memory_space<any>> -> memref<512x128xf32, #tpu.memory_space<any>>
    tpu.wait_dma2 semaphore(%arg11 : memref<!tpu.dma_semaphore, #tpu.memory_space<semaphore_mem>>) src(%dma_wait3A_488 : memref<512x128xf32, #tpu.memory_space<any>>) dst(%dma_wait3A_485 : memref<512x128xf32, #tpu.memory_space<vmem>>)
    %get3A_489 = arith.constant 8 : index
    %get3A_490 = arith.constant 0 : index
    %get3A_491 = arith.constant 0 : index
    %get3A_492 = vector.load %arg2[%get3A_489, %get3A_490, %get3A_491] : memref<16x512x128xf32, #tpu.memory_space<vmem>>, vector<1x512x128xf32>
    %get3A_493 = vector.shape_cast %get3A_492 : vector<1x512x128xf32> to vector<512x128xf32>
    %reshape3A_494 = vector.shape_cast %get3A_493 : vector<512x128xf32> to vector<64x8x128xf32>
    %dma_start3A_495 = arith.constant 8 : i32
    %dma_start3A_496 = arith.constant 0 : i32
    %dma_start3A_497 = arith.constant 0 : i32
    %dma_start3A_498 = tpu.memref_slice %arg2[%dma_start3A_495, %dma_start3A_496, %dma_start3A_497] : memref<16x512x128xf32, #tpu.memory_space<vmem>> -> memref<1x512x128xf32, #tpu.memory_space<vmem>>
    %dma_start3A_499 = tpu.memref_squeeze %dma_start3A_498 : memref<1x512x128xf32, #tpu.memory_space<vmem>> -> memref<512x128xf32, #tpu.memory_space<vmem>>
    %dma_start3A_500 = arith.constant 12288 : i32
    %dma_start3A_501 = arith.constant 0 : i32
    %dma_start3A_502 = tpu.memref_slice %arg0[%dma_start3A_500, %dma_start3A_501] : memref<16384x128xf32, #tpu.memory_space<any>> -> memref<512x128xf32, #tpu.memory_space<any>>
    tpu.enqueue_dma source(%dma_start3A_502 : memref<512x128xf32, #tpu.memory_space<any>>) target(%dma_start3A_499 : memref<512x128xf32, #tpu.memory_space<vmem>>) target_semaphore(%arg11 : memref<!tpu.dma_semaphore, #tpu.memory_space<semaphore_mem>>)
    %slice3A_503 = vector.extract_strided_slice %reshape3A_494 {offsets = [0, 0, 0], sizes = [32, 8, 128], strides = [1, 1, 1]} : vector<64x8x128xf32> to vector<32x8x128xf32>
    %slice3A_504 = vector.extract_strided_slice %reshape3A_494 {offsets = [32, 0, 0], sizes = [32, 8, 128], strides = [1, 1, 1]} : vector<64x8x128xf32> to vector<32x8x128xf32>
    %add3A_505 = arith.addf %slice3A_503, %slice3A_504 : vector<32x8x128xf32>
    %slice3A_506 = vector.extract_strided_slice %add3A_505 {offsets = [0, 0, 0], sizes = [16, 8, 128], strides = [1, 1, 1]} : vector<32x8x128xf32> to vector<16x8x128xf32>
    %slice3A_507 = vector.extract_strided_slice %add3A_505 {offsets = [16, 0, 0], sizes = [16, 8, 128], strides = [1, 1, 1]} : vector<32x8x128xf32> to vector<16x8x128xf32>
    %add3A_508 = arith.addf %slice3A_506, %slice3A_507 : vector<16x8x128xf32>
    %slice3A_509 = vector.extract_strided_slice %add3A_508 {offsets = [0, 0, 0], sizes = [8, 8, 128], strides = [1, 1, 1]} : vector<16x8x128xf32> to vector<8x8x128xf32>
    %slice3A_510 = vector.extract_strided_slice %add3A_508 {offsets = [8, 0, 0], sizes = [8, 8, 128], strides = [1, 1, 1]} : vector<16x8x128xf32> to vector<8x8x128xf32>
    %add3A_511 = arith.addf %slice3A_509, %slice3A_510 : vector<8x8x128xf32>
    %slice3A_512 = vector.extract_strided_slice %add3A_511 {offsets = [0, 0, 0], sizes = [4, 8, 128], strides = [1, 1, 1]} : vector<8x8x128xf32> to vector<4x8x128xf32>
    %slice3A_513 = vector.extract_strided_slice %add3A_511 {offsets = [4, 0, 0], sizes = [4, 8, 128], strides = [1, 1, 1]} : vector<8x8x128xf32> to vector<4x8x128xf32>
    %add3A_514 = arith.addf %slice3A_512, %slice3A_513 : vector<4x8x128xf32>
    %slice3A_515 = vector.extract_strided_slice %add3A_514 {offsets = [0, 0, 0], sizes = [2, 8, 128], strides = [1, 1, 1]} : vector<4x8x128xf32> to vector<2x8x128xf32>
    %slice3A_516 = vector.extract_strided_slice %add3A_514 {offsets = [2, 0, 0], sizes = [2, 8, 128], strides = [1, 1, 1]} : vector<4x8x128xf32> to vector<2x8x128xf32>
    %add3A_517 = arith.addf %slice3A_515, %slice3A_516 : vector<2x8x128xf32>
    %slice3A_518 = vector.extract_strided_slice %add3A_517 {offsets = [0, 0, 0], sizes = [1, 8, 128], strides = [1, 1, 1]} : vector<2x8x128xf32> to vector<1x8x128xf32>
    %slice3A_519 = vector.extract_strided_slice %add3A_517 {offsets = [1, 0, 0], sizes = [1, 8, 128], strides = [1, 1, 1]} : vector<2x8x128xf32> to vector<1x8x128xf32>
    %add3A_520 = arith.addf %slice3A_518, %slice3A_519 : vector<1x8x128xf32>
    %squeeze3A_521 = vector.shape_cast %add3A_520 : vector<1x8x128xf32> to vector<8x128xf32>
    %reduce_sum3A_522 = arith.constant dense<0.000000e+00> : vector<128xf32>
    %reduce_sum3A_523 = vector.multi_reduction <add>, %squeeze3A_521, %reduce_sum3A_522 [0] : vector<8x128xf32> to vector<128xf32>
    %broadcast_in_dim3A_524 = vector.shape_cast %reduce_sum3A_523 : vector<128xf32> to vector<1x128xf32>
    %add3A_525 = arith.addf %add3A_480, %broadcast_in_dim3A_524 : vector<1x128xf32>
    %dma_wait3A_526 = arith.constant 9 : i32
    %dma_wait3A_527 = arith.constant 0 : i32
    %dma_wait3A_528 = arith.constant 0 : i32
    %dma_wait3A_529 = tpu.memref_slice %arg2[%dma_wait3A_526, %dma_wait3A_527, %dma_wait3A_528] : memref<16x512x128xf32, #tpu.memory_space<vmem>> -> memref<1x512x128xf32, #tpu.memory_space<vmem>>
    %dma_wait3A_530 = tpu.memref_squeeze %dma_wait3A_529 : memref<1x512x128xf32, #tpu.memory_space<vmem>> -> memref<512x128xf32, #tpu.memory_space<vmem>>
    %dma_wait3A_531 = arith.constant 4608 : i32
    %dma_wait3A_532 = arith.constant 0 : i32
    %dma_wait3A_533 = tpu.memref_slice %arg0[%dma_wait3A_531, %dma_wait3A_532] : memref<16384x128xf32, #tpu.memory_space<any>> -> memref<512x128xf32, #tpu.memory_space<any>>
    tpu.wait_dma2 semaphore(%arg12 : memref<!tpu.dma_semaphore, #tpu.memory_space<semaphore_mem>>) src(%dma_wait3A_533 : memref<512x128xf32, #tpu.memory_space<any>>) dst(%dma_wait3A_530 : memref<512x128xf32, #tpu.memory_space<vmem>>)
    %get3A_534 = arith.constant 9 : index
    %get3A_535 = arith.constant 0 : index
    %get3A_536 = arith.constant 0 : index
    %get3A_537 = vector.load %arg2[%get3A_534, %get3A_535, %get3A_536] : memref<16x512x128xf32, #tpu.memory_space<vmem>>, vector<1x512x128xf32>
    %get3A_538 = vector.shape_cast %get3A_537 : vector<1x512x128xf32> to vector<512x128xf32>
    %reshape3A_539 = vector.shape_cast %get3A_538 : vector<512x128xf32> to vector<64x8x128xf32>
    %dma_start3A_540 = arith.constant 9 : i32
    %dma_start3A_541 = arith.constant 0 : i32
    %dma_start3A_542 = arith.constant 0 : i32
    %dma_start3A_543 = tpu.memref_slice %arg2[%dma_start3A_540, %dma_start3A_541, %dma_start3A_542] : memref<16x512x128xf32, #tpu.memory_space<vmem>> -> memref<1x512x128xf32, #tpu.memory_space<vmem>>
    %dma_start3A_544 = tpu.memref_squeeze %dma_start3A_543 : memref<1x512x128xf32, #tpu.memory_space<vmem>> -> memref<512x128xf32, #tpu.memory_space<vmem>>
    %dma_start3A_545 = arith.constant 12800 : i32
    %dma_start3A_546 = arith.constant 0 : i32
    %dma_start3A_547 = tpu.memref_slice %arg0[%dma_start3A_545, %dma_start3A_546] : memref<16384x128xf32, #tpu.memory_space<any>> -> memref<512x128xf32, #tpu.memory_space<any>>
    tpu.enqueue_dma source(%dma_start3A_547 : memref<512x128xf32, #tpu.memory_space<any>>) target(%dma_start3A_544 : memref<512x128xf32, #tpu.memory_space<vmem>>) target_semaphore(%arg12 : memref<!tpu.dma_semaphore, #tpu.memory_space<semaphore_mem>>)
    %slice3A_548 = vector.extract_strided_slice %reshape3A_539 {offsets = [0, 0, 0], sizes = [32, 8, 128], strides = [1, 1, 1]} : vector<64x8x128xf32> to vector<32x8x128xf32>
    %slice3A_549 = vector.extract_strided_slice %reshape3A_539 {offsets = [32, 0, 0], sizes = [32, 8, 128], strides = [1, 1, 1]} : vector<64x8x128xf32> to vector<32x8x128xf32>
    %add3A_550 = arith.addf %slice3A_548, %slice3A_549 : vector<32x8x128xf32>
    %slice3A_551 = vector.extract_strided_slice %add3A_550 {offsets = [0, 0, 0], sizes = [16, 8, 128], strides = [1, 1, 1]} : vector<32x8x128xf32> to vector<16x8x128xf32>
    %slice3A_552 = vector.extract_strided_slice %add3A_550 {offsets = [16, 0, 0], sizes = [16, 8, 128], strides = [1, 1, 1]} : vector<32x8x128xf32> to vector<16x8x128xf32>
    %add3A_553 = arith.addf %slice3A_551, %slice3A_552 : vector<16x8x128xf32>
    %slice3A_554 = vector.extract_strided_slice %add3A_553 {offsets = [0, 0, 0], sizes = [8, 8, 128], strides = [1, 1, 1]} : vector<16x8x128xf32> to vector<8x8x128xf32>
    %slice3A_555 = vector.extract_strided_slice %add3A_553 {offsets = [8, 0, 0], sizes = [8, 8, 128], strides = [1, 1, 1]} : vector<16x8x128xf32> to vector<8x8x128xf32>
    %add3A_556 = arith.addf %slice3A_554, %slice3A_555 : vector<8x8x128xf32>
    %slice3A_557 = vector.extract_strided_slice %add3A_556 {offsets = [0, 0, 0], sizes = [4, 8, 128], strides = [1, 1, 1]} : vector<8x8x128xf32> to vector<4x8x128xf32>
    %slice3A_558 = vector.extract_strided_slice %add3A_556 {offsets = [4, 0, 0], sizes = [4, 8, 128], strides = [1, 1, 1]} : vector<8x8x128xf32> to vector<4x8x128xf32>
    %add3A_559 = arith.addf %slice3A_557, %slice3A_558 : vector<4x8x128xf32>
    %slice3A_560 = vector.extract_strided_slice %add3A_559 {offsets = [0, 0, 0], sizes = [2, 8, 128], strides = [1, 1, 1]} : vector<4x8x128xf32> to vector<2x8x128xf32>
    %slice3A_561 = vector.extract_strided_slice %add3A_559 {offsets = [2, 0, 0], sizes = [2, 8, 128], strides = [1, 1, 1]} : vector<4x8x128xf32> to vector<2x8x128xf32>
    %add3A_562 = arith.addf %slice3A_560, %slice3A_561 : vector<2x8x128xf32>
    %slice3A_563 = vector.extract_strided_slice %add3A_562 {offsets = [0, 0, 0], sizes = [1, 8, 128], strides = [1, 1, 1]} : vector<2x8x128xf32> to vector<1x8x128xf32>
    %slice3A_564 = vector.extract_strided_slice %add3A_562 {offsets = [1, 0, 0], sizes = [1, 8, 128], strides = [1, 1, 1]} : vector<2x8x128xf32> to vector<1x8x128xf32>
    %add3A_565 = arith.addf %slice3A_563, %slice3A_564 : vector<1x8x128xf32>
    %squeeze3A_566 = vector.shape_cast %add3A_565 : vector<1x8x128xf32> to vector<8x128xf32>
    %reduce_sum3A_567 = arith.constant dense<0.000000e+00> : vector<128xf32>
    %reduce_sum3A_568 = vector.multi_reduction <add>, %squeeze3A_566, %reduce_sum3A_567 [0] : vector<8x128xf32> to vector<128xf32>
    %broadcast_in_dim3A_569 = vector.shape_cast %reduce_sum3A_568 : vector<128xf32> to vector<1x128xf32>
    %add3A_570 = arith.addf %add3A_525, %broadcast_in_dim3A_569 : vector<1x128xf32>
    %dma_wait3A_571 = arith.constant 10 : i32
    %dma_wait3A_572 = arith.constant 0 : i32
    %dma_wait3A_573 = arith.constant 0 : i32
    %dma_wait3A_574 = tpu.memref_slice %arg2[%dma_wait3A_571, %dma_wait3A_572, %dma_wait3A_573] : memref<16x512x128xf32, #tpu.memory_space<vmem>> -> memref<1x512x128xf32, #tpu.memory_space<vmem>>
    %dma_wait3A_575 = tpu.memref_squeeze %dma_wait3A_574 : memref<1x512x128xf32, #tpu.memory_space<vmem>> -> memref<512x128xf32, #tpu.memory_space<vmem>>
    %dma_wait3A_576 = arith.constant 5120 : i32
    %dma_wait3A_577 = arith.constant 0 : i32
    %dma_wait3A_578 = tpu.memref_slice %arg0[%dma_wait3A_576, %dma_wait3A_577] : memref<16384x128xf32, #tpu.memory_space<any>> -> memref<512x128xf32, #tpu.memory_space<any>>
    tpu.wait_dma2 semaphore(%arg13 : memref<!tpu.dma_semaphore, #tpu.memory_space<semaphore_mem>>) src(%dma_wait3A_578 : memref<512x128xf32, #tpu.memory_space<any>>) dst(%dma_wait3A_575 : memref<512x128xf32, #tpu.memory_space<vmem>>)
    %get3A_579 = arith.constant 10 : index
    %get3A_580 = arith.constant 0 : index
    %get3A_581 = arith.constant 0 : index
    %get3A_582 = vector.load %arg2[%get3A_579, %get3A_580, %get3A_581] : memref<16x512x128xf32, #tpu.memory_space<vmem>>, vector<1x512x128xf32>
    %get3A_583 = vector.shape_cast %get3A_582 : vector<1x512x128xf32> to vector<512x128xf32>
    %reshape3A_584 = vector.shape_cast %get3A_583 : vector<512x128xf32> to vector<64x8x128xf32>
    %dma_start3A_585 = arith.constant 10 : i32
    %dma_start3A_586 = arith.constant 0 : i32
    %dma_start3A_587 = arith.constant 0 : i32
    %dma_start3A_588 = tpu.memref_slice %arg2[%dma_start3A_585, %dma_start3A_586, %dma_start3A_587] : memref<16x512x128xf32, #tpu.memory_space<vmem>> -> memref<1x512x128xf32, #tpu.memory_space<vmem>>
    %dma_start3A_589 = tpu.memref_squeeze %dma_start3A_588 : memref<1x512x128xf32, #tpu.memory_space<vmem>> -> memref<512x128xf32, #tpu.memory_space<vmem>>
    %dma_start3A_590 = arith.constant 13312 : i32
    %dma_start3A_591 = arith.constant 0 : i32
    %dma_start3A_592 = tpu.memref_slice %arg0[%dma_start3A_590, %dma_start3A_591] : memref<16384x128xf32, #tpu.memory_space<any>> -> memref<512x128xf32, #tpu.memory_space<any>>
    tpu.enqueue_dma source(%dma_start3A_592 : memref<512x128xf32, #tpu.memory_space<any>>) target(%dma_start3A_589 : memref<512x128xf32, #tpu.memory_space<vmem>>) target_semaphore(%arg13 : memref<!tpu.dma_semaphore, #tpu.memory_space<semaphore_mem>>)
    %slice3A_593 = vector.extract_strided_slice %reshape3A_584 {offsets = [0, 0, 0], sizes = [32, 8, 128], strides = [1, 1, 1]} : vector<64x8x128xf32> to vector<32x8x128xf32>
    %slice3A_594 = vector.extract_strided_slice %reshape3A_584 {offsets = [32, 0, 0], sizes = [32, 8, 128], strides = [1, 1, 1]} : vector<64x8x128xf32> to vector<32x8x128xf32>
    %add3A_595 = arith.addf %slice3A_593, %slice3A_594 : vector<32x8x128xf32>
    %slice3A_596 = vector.extract_strided_slice %add3A_595 {offsets = [0, 0, 0], sizes = [16, 8, 128], strides = [1, 1, 1]} : vector<32x8x128xf32> to vector<16x8x128xf32>
    %slice3A_597 = vector.extract_strided_slice %add3A_595 {offsets = [16, 0, 0], sizes = [16, 8, 128], strides = [1, 1, 1]} : vector<32x8x128xf32> to vector<16x8x128xf32>
    %add3A_598 = arith.addf %slice3A_596, %slice3A_597 : vector<16x8x128xf32>
    %slice3A_599 = vector.extract_strided_slice %add3A_598 {offsets = [0, 0, 0], sizes = [8, 8, 128], strides = [1, 1, 1]} : vector<16x8x128xf32> to vector<8x8x128xf32>
    %slice3A_600 = vector.extract_strided_slice %add3A_598 {offsets = [8, 0, 0], sizes = [8, 8, 128], strides = [1, 1, 1]} : vector<16x8x128xf32> to vector<8x8x128xf32>
    %add3A_601 = arith.addf %slice3A_599, %slice3A_600 : vector<8x8x128xf32>
    %slice3A_602 = vector.extract_strided_slice %add3A_601 {offsets = [0, 0, 0], sizes = [4, 8, 128], strides = [1, 1, 1]} : vector<8x8x128xf32> to vector<4x8x128xf32>
    %slice3A_603 = vector.extract_strided_slice %add3A_601 {offsets = [4, 0, 0], sizes = [4, 8, 128], strides = [1, 1, 1]} : vector<8x8x128xf32> to vector<4x8x128xf32>
    %add3A_604 = arith.addf %slice3A_602, %slice3A_603 : vector<4x8x128xf32>
    %slice3A_605 = vector.extract_strided_slice %add3A_604 {offsets = [0, 0, 0], sizes = [2, 8, 128], strides = [1, 1, 1]} : vector<4x8x128xf32> to vector<2x8x128xf32>
    %slice3A_606 = vector.extract_strided_slice %add3A_604 {offsets = [2, 0, 0], sizes = [2, 8, 128], strides = [1, 1, 1]} : vector<4x8x128xf32> to vector<2x8x128xf32>
    %add3A_607 = arith.addf %slice3A_605, %slice3A_606 : vector<2x8x128xf32>
    %slice3A_608 = vector.extract_strided_slice %add3A_607 {offsets = [0, 0, 0], sizes = [1, 8, 128], strides = [1, 1, 1]} : vector<2x8x128xf32> to vector<1x8x128xf32>
    %slice3A_609 = vector.extract_strided_slice %add3A_607 {offsets = [1, 0, 0], sizes = [1, 8, 128], strides = [1, 1, 1]} : vector<2x8x128xf32> to vector<1x8x128xf32>
    %add3A_610 = arith.addf %slice3A_608, %slice3A_609 : vector<1x8x128xf32>
    %squeeze3A_611 = vector.shape_cast %add3A_610 : vector<1x8x128xf32> to vector<8x128xf32>
    %reduce_sum3A_612 = arith.constant dense<0.000000e+00> : vector<128xf32>
    %reduce_sum3A_613 = vector.multi_reduction <add>, %squeeze3A_611, %reduce_sum3A_612 [0] : vector<8x128xf32> to vector<128xf32>
    %broadcast_in_dim3A_614 = vector.shape_cast %reduce_sum3A_613 : vector<128xf32> to vector<1x128xf32>
    %add3A_615 = arith.addf %add3A_570, %broadcast_in_dim3A_614 : vector<1x128xf32>
    %dma_wait3A_616 = arith.constant 11 : i32
    %dma_wait3A_617 = arith.constant 0 : i32
    %dma_wait3A_618 = arith.constant 0 : i32
    %dma_wait3A_619 = tpu.memref_slice %arg2[%dma_wait3A_616, %dma_wait3A_617, %dma_wait3A_618] : memref<16x512x128xf32, #tpu.memory_space<vmem>> -> memref<1x512x128xf32, #tpu.memory_space<vmem>>
    %dma_wait3A_620 = tpu.memref_squeeze %dma_wait3A_619 : memref<1x512x128xf32, #tpu.memory_space<vmem>> -> memref<512x128xf32, #tpu.memory_space<vmem>>
    %dma_wait3A_621 = arith.constant 5632 : i32
    %dma_wait3A_622 = arith.constant 0 : i32
    %dma_wait3A_623 = tpu.memref_slice %arg0[%dma_wait3A_621, %dma_wait3A_622] : memref<16384x128xf32, #tpu.memory_space<any>> -> memref<512x128xf32, #tpu.memory_space<any>>
    tpu.wait_dma2 semaphore(%arg14 : memref<!tpu.dma_semaphore, #tpu.memory_space<semaphore_mem>>) src(%dma_wait3A_623 : memref<512x128xf32, #tpu.memory_space<any>>) dst(%dma_wait3A_620 : memref<512x128xf32, #tpu.memory_space<vmem>>)
    %get3A_624 = arith.constant 11 : index
    %get3A_625 = arith.constant 0 : index
    %get3A_626 = arith.constant 0 : index
    %get3A_627 = vector.load %arg2[%get3A_624, %get3A_625, %get3A_626] : memref<16x512x128xf32, #tpu.memory_space<vmem>>, vector<1x512x128xf32>
    %get3A_628 = vector.shape_cast %get3A_627 : vector<1x512x128xf32> to vector<512x128xf32>
    %reshape3A_629 = vector.shape_cast %get3A_628 : vector<512x128xf32> to vector<64x8x128xf32>
    %dma_start3A_630 = arith.constant 11 : i32
    %dma_start3A_631 = arith.constant 0 : i32
    %dma_start3A_632 = arith.constant 0 : i32
    %dma_start3A_633 = tpu.memref_slice %arg2[%dma_start3A_630, %dma_start3A_631, %dma_start3A_632] : memref<16x512x128xf32, #tpu.memory_space<vmem>> -> memref<1x512x128xf32, #tpu.memory_space<vmem>>
    %dma_start3A_634 = tpu.memref_squeeze %dma_start3A_633 : memref<1x512x128xf32, #tpu.memory_space<vmem>> -> memref<512x128xf32, #tpu.memory_space<vmem>>
    %dma_start3A_635 = arith.constant 13824 : i32
    %dma_start3A_636 = arith.constant 0 : i32
    %dma_start3A_637 = tpu.memref_slice %arg0[%dma_start3A_635, %dma_start3A_636] : memref<16384x128xf32, #tpu.memory_space<any>> -> memref<512x128xf32, #tpu.memory_space<any>>
    tpu.enqueue_dma source(%dma_start3A_637 : memref<512x128xf32, #tpu.memory_space<any>>) target(%dma_start3A_634 : memref<512x128xf32, #tpu.memory_space<vmem>>) target_semaphore(%arg14 : memref<!tpu.dma_semaphore, #tpu.memory_space<semaphore_mem>>)
    %slice3A_638 = vector.extract_strided_slice %reshape3A_629 {offsets = [0, 0, 0], sizes = [32, 8, 128], strides = [1, 1, 1]} : vector<64x8x128xf32> to vector<32x8x128xf32>
    %slice3A_639 = vector.extract_strided_slice %reshape3A_629 {offsets = [32, 0, 0], sizes = [32, 8, 128], strides = [1, 1, 1]} : vector<64x8x128xf32> to vector<32x8x128xf32>
    %add3A_640 = arith.addf %slice3A_638, %slice3A_639 : vector<32x8x128xf32>
    %slice3A_641 = vector.extract_strided_slice %add3A_640 {offsets = [0, 0, 0], sizes = [16, 8, 128], strides = [1, 1, 1]} : vector<32x8x128xf32> to vector<16x8x128xf32>
    %slice3A_642 = vector.extract_strided_slice %add3A_640 {offsets = [16, 0, 0], sizes = [16, 8, 128], strides = [1, 1, 1]} : vector<32x8x128xf32> to vector<16x8x128xf32>
    %add3A_643 = arith.addf %slice3A_641, %slice3A_642 : vector<16x8x128xf32>
    %slice3A_644 = vector.extract_strided_slice %add3A_643 {offsets = [0, 0, 0], sizes = [8, 8, 128], strides = [1, 1, 1]} : vector<16x8x128xf32> to vector<8x8x128xf32>
    %slice3A_645 = vector.extract_strided_slice %add3A_643 {offsets = [8, 0, 0], sizes = [8, 8, 128], strides = [1, 1, 1]} : vector<16x8x128xf32> to vector<8x8x128xf32>
    %add3A_646 = arith.addf %slice3A_644, %slice3A_645 : vector<8x8x128xf32>
    %slice3A_647 = vector.extract_strided_slice %add3A_646 {offsets = [0, 0, 0], sizes = [4, 8, 128], strides = [1, 1, 1]} : vector<8x8x128xf32> to vector<4x8x128xf32>
    %slice3A_648 = vector.extract_strided_slice %add3A_646 {offsets = [4, 0, 0], sizes = [4, 8, 128], strides = [1, 1, 1]} : vector<8x8x128xf32> to vector<4x8x128xf32>
    %add3A_649 = arith.addf %slice3A_647, %slice3A_648 : vector<4x8x128xf32>
    %slice3A_650 = vector.extract_strided_slice %add3A_649 {offsets = [0, 0, 0], sizes = [2, 8, 128], strides = [1, 1, 1]} : vector<4x8x128xf32> to vector<2x8x128xf32>
    %slice3A_651 = vector.extract_strided_slice %add3A_649 {offsets = [2, 0, 0], sizes = [2, 8, 128], strides = [1, 1, 1]} : vector<4x8x128xf32> to vector<2x8x128xf32>
    %add3A_652 = arith.addf %slice3A_650, %slice3A_651 : vector<2x8x128xf32>
    %slice3A_653 = vector.extract_strided_slice %add3A_652 {offsets = [0, 0, 0], sizes = [1, 8, 128], strides = [1, 1, 1]} : vector<2x8x128xf32> to vector<1x8x128xf32>
    %slice3A_654 = vector.extract_strided_slice %add3A_652 {offsets = [1, 0, 0], sizes = [1, 8, 128], strides = [1, 1, 1]} : vector<2x8x128xf32> to vector<1x8x128xf32>
    %add3A_655 = arith.addf %slice3A_653, %slice3A_654 : vector<1x8x128xf32>
    %squeeze3A_656 = vector.shape_cast %add3A_655 : vector<1x8x128xf32> to vector<8x128xf32>
    %reduce_sum3A_657 = arith.constant dense<0.000000e+00> : vector<128xf32>
    %reduce_sum3A_658 = vector.multi_reduction <add>, %squeeze3A_656, %reduce_sum3A_657 [0] : vector<8x128xf32> to vector<128xf32>
    %broadcast_in_dim3A_659 = vector.shape_cast %reduce_sum3A_658 : vector<128xf32> to vector<1x128xf32>
    %add3A_660 = arith.addf %add3A_615, %broadcast_in_dim3A_659 : vector<1x128xf32>
    %dma_wait3A_661 = arith.constant 12 : i32
    %dma_wait3A_662 = arith.constant 0 : i32
    %dma_wait3A_663 = arith.constant 0 : i32
    %dma_wait3A_664 = tpu.memref_slice %arg2[%dma_wait3A_661, %dma_wait3A_662, %dma_wait3A_663] : memref<16x512x128xf32, #tpu.memory_space<vmem>> -> memref<1x512x128xf32, #tpu.memory_space<vmem>>
    %dma_wait3A_665 = tpu.memref_squeeze %dma_wait3A_664 : memref<1x512x128xf32, #tpu.memory_space<vmem>> -> memref<512x128xf32, #tpu.memory_space<vmem>>
    %dma_wait3A_666 = arith.constant 6144 : i32
    %dma_wait3A_667 = arith.constant 0 : i32
    %dma_wait3A_668 = tpu.memref_slice %arg0[%dma_wait3A_666, %dma_wait3A_667] : memref<16384x128xf32, #tpu.memory_space<any>> -> memref<512x128xf32, #tpu.memory_space<any>>
    tpu.wait_dma2 semaphore(%arg15 : memref<!tpu.dma_semaphore, #tpu.memory_space<semaphore_mem>>) src(%dma_wait3A_668 : memref<512x128xf32, #tpu.memory_space<any>>) dst(%dma_wait3A_665 : memref<512x128xf32, #tpu.memory_space<vmem>>)
    %get3A_669 = arith.constant 12 : index
    %get3A_670 = arith.constant 0 : index
    %get3A_671 = arith.constant 0 : index
    %get3A_672 = vector.load %arg2[%get3A_669, %get3A_670, %get3A_671] : memref<16x512x128xf32, #tpu.memory_space<vmem>>, vector<1x512x128xf32>
    %get3A_673 = vector.shape_cast %get3A_672 : vector<1x512x128xf32> to vector<512x128xf32>
    %reshape3A_674 = vector.shape_cast %get3A_673 : vector<512x128xf32> to vector<64x8x128xf32>
    %dma_start3A_675 = arith.constant 12 : i32
    %dma_start3A_676 = arith.constant 0 : i32
    %dma_start3A_677 = arith.constant 0 : i32
    %dma_start3A_678 = tpu.memref_slice %arg2[%dma_start3A_675, %dma_start3A_676, %dma_start3A_677] : memref<16x512x128xf32, #tpu.memory_space<vmem>> -> memref<1x512x128xf32, #tpu.memory_space<vmem>>
    %dma_start3A_679 = tpu.memref_squeeze %dma_start3A_678 : memref<1x512x128xf32, #tpu.memory_space<vmem>> -> memref<512x128xf32, #tpu.memory_space<vmem>>
    %dma_start3A_680 = arith.constant 14336 : i32
    %dma_start3A_681 = arith.constant 0 : i32
    %dma_start3A_682 = tpu.memref_slice %arg0[%dma_start3A_680, %dma_start3A_681] : memref<16384x128xf32, #tpu.memory_space<any>> -> memref<512x128xf32, #tpu.memory_space<any>>
    tpu.enqueue_dma source(%dma_start3A_682 : memref<512x128xf32, #tpu.memory_space<any>>) target(%dma_start3A_679 : memref<512x128xf32, #tpu.memory_space<vmem>>) target_semaphore(%arg15 : memref<!tpu.dma_semaphore, #tpu.memory_space<semaphore_mem>>)
    %slice3A_683 = vector.extract_strided_slice %reshape3A_674 {offsets = [0, 0, 0], sizes = [32, 8, 128], strides = [1, 1, 1]} : vector<64x8x128xf32> to vector<32x8x128xf32>
    %slice3A_684 = vector.extract_strided_slice %reshape3A_674 {offsets = [32, 0, 0], sizes = [32, 8, 128], strides = [1, 1, 1]} : vector<64x8x128xf32> to vector<32x8x128xf32>
    %add3A_685 = arith.addf %slice3A_683, %slice3A_684 : vector<32x8x128xf32>
    %slice3A_686 = vector.extract_strided_slice %add3A_685 {offsets = [0, 0, 0], sizes = [16, 8, 128], strides = [1, 1, 1]} : vector<32x8x128xf32> to vector<16x8x128xf32>
    %slice3A_687 = vector.extract_strided_slice %add3A_685 {offsets = [16, 0, 0], sizes = [16, 8, 128], strides = [1, 1, 1]} : vector<32x8x128xf32> to vector<16x8x128xf32>
    %add3A_688 = arith.addf %slice3A_686, %slice3A_687 : vector<16x8x128xf32>
    %slice3A_689 = vector.extract_strided_slice %add3A_688 {offsets = [0, 0, 0], sizes = [8, 8, 128], strides = [1, 1, 1]} : vector<16x8x128xf32> to vector<8x8x128xf32>
    %slice3A_690 = vector.extract_strided_slice %add3A_688 {offsets = [8, 0, 0], sizes = [8, 8, 128], strides = [1, 1, 1]} : vector<16x8x128xf32> to vector<8x8x128xf32>
    %add3A_691 = arith.addf %slice3A_689, %slice3A_690 : vector<8x8x128xf32>
    %slice3A_692 = vector.extract_strided_slice %add3A_691 {offsets = [0, 0, 0], sizes = [4, 8, 128], strides = [1, 1, 1]} : vector<8x8x128xf32> to vector<4x8x128xf32>
    %slice3A_693 = vector.extract_strided_slice %add3A_691 {offsets = [4, 0, 0], sizes = [4, 8, 128], strides = [1, 1, 1]} : vector<8x8x128xf32> to vector<4x8x128xf32>
    %add3A_694 = arith.addf %slice3A_692, %slice3A_693 : vector<4x8x128xf32>
    %slice3A_695 = vector.extract_strided_slice %add3A_694 {offsets = [0, 0, 0], sizes = [2, 8, 128], strides = [1, 1, 1]} : vector<4x8x128xf32> to vector<2x8x128xf32>
    %slice3A_696 = vector.extract_strided_slice %add3A_694 {offsets = [2, 0, 0], sizes = [2, 8, 128], strides = [1, 1, 1]} : vector<4x8x128xf32> to vector<2x8x128xf32>
    %add3A_697 = arith.addf %slice3A_695, %slice3A_696 : vector<2x8x128xf32>
    %slice3A_698 = vector.extract_strided_slice %add3A_697 {offsets = [0, 0, 0], sizes = [1, 8, 128], strides = [1, 1, 1]} : vector<2x8x128xf32> to vector<1x8x128xf32>
    %slice3A_699 = vector.extract_strided_slice %add3A_697 {offsets = [1, 0, 0], sizes = [1, 8, 128], strides = [1, 1, 1]} : vector<2x8x128xf32> to vector<1x8x128xf32>
    %add3A_700 = arith.addf %slice3A_698, %slice3A_699 : vector<1x8x128xf32>
    %squeeze3A_701 = vector.shape_cast %add3A_700 : vector<1x8x128xf32> to vector<8x128xf32>
    %reduce_sum3A_702 = arith.constant dense<0.000000e+00> : vector<128xf32>
    %reduce_sum3A_703 = vector.multi_reduction <add>, %squeeze3A_701, %reduce_sum3A_702 [0] : vector<8x128xf32> to vector<128xf32>
    %broadcast_in_dim3A_704 = vector.shape_cast %reduce_sum3A_703 : vector<128xf32> to vector<1x128xf32>
    %add3A_705 = arith.addf %add3A_660, %broadcast_in_dim3A_704 : vector<1x128xf32>
    %dma_wait3A_706 = arith.constant 13 : i32
    %dma_wait3A_707 = arith.constant 0 : i32
    %dma_wait3A_708 = arith.constant 0 : i32
    %dma_wait3A_709 = tpu.memref_slice %arg2[%dma_wait3A_706, %dma_wait3A_707, %dma_wait3A_708] : memref<16x512x128xf32, #tpu.memory_space<vmem>> -> memref<1x512x128xf32, #tpu.memory_space<vmem>>
    %dma_wait3A_710 = tpu.memref_squeeze %dma_wait3A_709 : memref<1x512x128xf32, #tpu.memory_space<vmem>> -> memref<512x128xf32, #tpu.memory_space<vmem>>
    %dma_wait3A_711 = arith.constant 6656 : i32
    %dma_wait3A_712 = arith.constant 0 : i32
    %dma_wait3A_713 = tpu.memref_slice %arg0[%dma_wait3A_711, %dma_wait3A_712] : memref<16384x128xf32, #tpu.memory_space<any>> -> memref<512x128xf32, #tpu.memory_space<any>>
    tpu.wait_dma2 semaphore(%arg16 : memref<!tpu.dma_semaphore, #tpu.memory_space<semaphore_mem>>) src(%dma_wait3A_713 : memref<512x128xf32, #tpu.memory_space<any>>) dst(%dma_wait3A_710 : memref<512x128xf32, #tpu.memory_space<vmem>>)
    %get3A_714 = arith.constant 13 : index
    %get3A_715 = arith.constant 0 : index
    %get3A_716 = arith.constant 0 : index
    %get3A_717 = vector.load %arg2[%get3A_714, %get3A_715, %get3A_716] : memref<16x512x128xf32, #tpu.memory_space<vmem>>, vector<1x512x128xf32>
    %get3A_718 = vector.shape_cast %get3A_717 : vector<1x512x128xf32> to vector<512x128xf32>
    %reshape3A_719 = vector.shape_cast %get3A_718 : vector<512x128xf32> to vector<64x8x128xf32>
    %dma_start3A_720 = arith.constant 13 : i32
    %dma_start3A_721 = arith.constant 0 : i32
    %dma_start3A_722 = arith.constant 0 : i32
    %dma_start3A_723 = tpu.memref_slice %arg2[%dma_start3A_720, %dma_start3A_721, %dma_start3A_722] : memref<16x512x128xf32, #tpu.memory_space<vmem>> -> memref<1x512x128xf32, #tpu.memory_space<vmem>>
    %dma_start3A_724 = tpu.memref_squeeze %dma_start3A_723 : memref<1x512x128xf32, #tpu.memory_space<vmem>> -> memref<512x128xf32, #tpu.memory_space<vmem>>
    %dma_start3A_725 = arith.constant 14848 : i32
    %dma_start3A_726 = arith.constant 0 : i32
    %dma_start3A_727 = tpu.memref_slice %arg0[%dma_start3A_725, %dma_start3A_726] : memref<16384x128xf32, #tpu.memory_space<any>> -> memref<512x128xf32, #tpu.memory_space<any>>
    tpu.enqueue_dma source(%dma_start3A_727 : memref<512x128xf32, #tpu.memory_space<any>>) target(%dma_start3A_724 : memref<512x128xf32, #tpu.memory_space<vmem>>) target_semaphore(%arg16 : memref<!tpu.dma_semaphore, #tpu.memory_space<semaphore_mem>>)
    %slice3A_728 = vector.extract_strided_slice %reshape3A_719 {offsets = [0, 0, 0], sizes = [32, 8, 128], strides = [1, 1, 1]} : vector<64x8x128xf32> to vector<32x8x128xf32>
    %slice3A_729 = vector.extract_strided_slice %reshape3A_719 {offsets = [32, 0, 0], sizes = [32, 8, 128], strides = [1, 1, 1]} : vector<64x8x128xf32> to vector<32x8x128xf32>
    %add3A_730 = arith.addf %slice3A_728, %slice3A_729 : vector<32x8x128xf32>
    %slice3A_731 = vector.extract_strided_slice %add3A_730 {offsets = [0, 0, 0], sizes = [16, 8, 128], strides = [1, 1, 1]} : vector<32x8x128xf32> to vector<16x8x128xf32>
    %slice3A_732 = vector.extract_strided_slice %add3A_730 {offsets = [16, 0, 0], sizes = [16, 8, 128], strides = [1, 1, 1]} : vector<32x8x128xf32> to vector<16x8x128xf32>
    %add3A_733 = arith.addf %slice3A_731, %slice3A_732 : vector<16x8x128xf32>
    %slice3A_734 = vector.extract_strided_slice %add3A_733 {offsets = [0, 0, 0], sizes = [8, 8, 128], strides = [1, 1, 1]} : vector<16x8x128xf32> to vector<8x8x128xf32>
    %slice3A_735 = vector.extract_strided_slice %add3A_733 {offsets = [8, 0, 0], sizes = [8, 8, 128], strides = [1, 1, 1]} : vector<16x8x128xf32> to vector<8x8x128xf32>
    %add3A_736 = arith.addf %slice3A_734, %slice3A_735 : vector<8x8x128xf32>
    %slice3A_737 = vector.extract_strided_slice %add3A_736 {offsets = [0, 0, 0], sizes = [4, 8, 128], strides = [1, 1, 1]} : vector<8x8x128xf32> to vector<4x8x128xf32>
    %slice3A_738 = vector.extract_strided_slice %add3A_736 {offsets = [4, 0, 0], sizes = [4, 8, 128], strides = [1, 1, 1]} : vector<8x8x128xf32> to vector<4x8x128xf32>
    %add3A_739 = arith.addf %slice3A_737, %slice3A_738 : vector<4x8x128xf32>
    %slice3A_740 = vector.extract_strided_slice %add3A_739 {offsets = [0, 0, 0], sizes = [2, 8, 128], strides = [1, 1, 1]} : vector<4x8x128xf32> to vector<2x8x128xf32>
    %slice3A_741 = vector.extract_strided_slice %add3A_739 {offsets = [2, 0, 0], sizes = [2, 8, 128], strides = [1, 1, 1]} : vector<4x8x128xf32> to vector<2x8x128xf32>
    %add3A_742 = arith.addf %slice3A_740, %slice3A_741 : vector<2x8x128xf32>
    %slice3A_743 = vector.extract_strided_slice %add3A_742 {offsets = [0, 0, 0], sizes = [1, 8, 128], strides = [1, 1, 1]} : vector<2x8x128xf32> to vector<1x8x128xf32>
    %slice3A_744 = vector.extract_strided_slice %add3A_742 {offsets = [1, 0, 0], sizes = [1, 8, 128], strides = [1, 1, 1]} : vector<2x8x128xf32> to vector<1x8x128xf32>
    %add3A_745 = arith.addf %slice3A_743, %slice3A_744 : vector<1x8x128xf32>
    %squeeze3A_746 = vector.shape_cast %add3A_745 : vector<1x8x128xf32> to vector<8x128xf32>
    %reduce_sum3A_747 = arith.constant dense<0.000000e+00> : vector<128xf32>
    %reduce_sum3A_748 = vector.multi_reduction <add>, %squeeze3A_746, %reduce_sum3A_747 [0] : vector<8x128xf32> to vector<128xf32>
    %broadcast_in_dim3A_749 = vector.shape_cast %reduce_sum3A_748 : vector<128xf32> to vector<1x128xf32>
    %add3A_750 = arith.addf %add3A_705, %broadcast_in_dim3A_749 : vector<1x128xf32>
    %dma_wait3A_751 = arith.constant 14 : i32
    %dma_wait3A_752 = arith.constant 0 : i32
    %dma_wait3A_753 = arith.constant 0 : i32
    %dma_wait3A_754 = tpu.memref_slice %arg2[%dma_wait3A_751, %dma_wait3A_752, %dma_wait3A_753] : memref<16x512x128xf32, #tpu.memory_space<vmem>> -> memref<1x512x128xf32, #tpu.memory_space<vmem>>
    %dma_wait3A_755 = tpu.memref_squeeze %dma_wait3A_754 : memref<1x512x128xf32, #tpu.memory_space<vmem>> -> memref<512x128xf32, #tpu.memory_space<vmem>>
    %dma_wait3A_756 = arith.constant 7168 : i32
    %dma_wait3A_757 = arith.constant 0 : i32
    %dma_wait3A_758 = tpu.memref_slice %arg0[%dma_wait3A_756, %dma_wait3A_757] : memref<16384x128xf32, #tpu.memory_space<any>> -> memref<512x128xf32, #tpu.memory_space<any>>
    tpu.wait_dma2 semaphore(%arg17 : memref<!tpu.dma_semaphore, #tpu.memory_space<semaphore_mem>>) src(%dma_wait3A_758 : memref<512x128xf32, #tpu.memory_space<any>>) dst(%dma_wait3A_755 : memref<512x128xf32, #tpu.memory_space<vmem>>)
    %get3A_759 = arith.constant 14 : index
    %get3A_760 = arith.constant 0 : index
    %get3A_761 = arith.constant 0 : index
    %get3A_762 = vector.load %arg2[%get3A_759, %get3A_760, %get3A_761] : memref<16x512x128xf32, #tpu.memory_space<vmem>>, vector<1x512x128xf32>
    %get3A_763 = vector.shape_cast %get3A_762 : vector<1x512x128xf32> to vector<512x128xf32>
    %reshape3A_764 = vector.shape_cast %get3A_763 : vector<512x128xf32> to vector<64x8x128xf32>
    %dma_start3A_765 = arith.constant 14 : i32
    %dma_start3A_766 = arith.constant 0 : i32
    %dma_start3A_767 = arith.constant 0 : i32
    %dma_start3A_768 = tpu.memref_slice %arg2[%dma_start3A_765, %dma_start3A_766, %dma_start3A_767] : memref<16x512x128xf32, #tpu.memory_space<vmem>> -> memref<1x512x128xf32, #tpu.memory_space<vmem>>
    %dma_start3A_769 = tpu.memref_squeeze %dma_start3A_768 : memref<1x512x128xf32, #tpu.memory_space<vmem>> -> memref<512x128xf32, #tpu.memory_space<vmem>>
    %dma_start3A_770 = arith.constant 15360 : i32
    %dma_start3A_771 = arith.constant 0 : i32
    %dma_start3A_772 = tpu.memref_slice %arg0[%dma_start3A_770, %dma_start3A_771] : memref<16384x128xf32, #tpu.memory_space<any>> -> memref<512x128xf32, #tpu.memory_space<any>>
    tpu.enqueue_dma source(%dma_start3A_772 : memref<512x128xf32, #tpu.memory_space<any>>) target(%dma_start3A_769 : memref<512x128xf32, #tpu.memory_space<vmem>>) target_semaphore(%arg17 : memref<!tpu.dma_semaphore, #tpu.memory_space<semaphore_mem>>)
    %slice3A_773 = vector.extract_strided_slice %reshape3A_764 {offsets = [0, 0, 0], sizes = [32, 8, 128], strides = [1, 1, 1]} : vector<64x8x128xf32> to vector<32x8x128xf32>
    %slice3A_774 = vector.extract_strided_slice %reshape3A_764 {offsets = [32, 0, 0], sizes = [32, 8, 128], strides = [1, 1, 1]} : vector<64x8x128xf32> to vector<32x8x128xf32>
    %add3A_775 = arith.addf %slice3A_773, %slice3A_774 : vector<32x8x128xf32>
    %slice3A_776 = vector.extract_strided_slice %add3A_775 {offsets = [0, 0, 0], sizes = [16, 8, 128], strides = [1, 1, 1]} : vector<32x8x128xf32> to vector<16x8x128xf32>
    %slice3A_777 = vector.extract_strided_slice %add3A_775 {offsets = [16, 0, 0], sizes = [16, 8, 128], strides = [1, 1, 1]} : vector<32x8x128xf32> to vector<16x8x128xf32>
    %add3A_778 = arith.addf %slice3A_776, %slice3A_777 : vector<16x8x128xf32>
    %slice3A_779 = vector.extract_strided_slice %add3A_778 {offsets = [0, 0, 0], sizes = [8, 8, 128], strides = [1, 1, 1]} : vector<16x8x128xf32> to vector<8x8x128xf32>
    %slice3A_780 = vector.extract_strided_slice %add3A_778 {offsets = [8, 0, 0], sizes = [8, 8, 128], strides = [1, 1, 1]} : vector<16x8x128xf32> to vector<8x8x128xf32>
    %add3A_781 = arith.addf %slice3A_779, %slice3A_780 : vector<8x8x128xf32>
    %slice3A_782 = vector.extract_strided_slice %add3A_781 {offsets = [0, 0, 0], sizes = [4, 8, 128], strides = [1, 1, 1]} : vector<8x8x128xf32> to vector<4x8x128xf32>
    %slice3A_783 = vector.extract_strided_slice %add3A_781 {offsets = [4, 0, 0], sizes = [4, 8, 128], strides = [1, 1, 1]} : vector<8x8x128xf32> to vector<4x8x128xf32>
    %add3A_784 = arith.addf %slice3A_782, %slice3A_783 : vector<4x8x128xf32>
    %slice3A_785 = vector.extract_strided_slice %add3A_784 {offsets = [0, 0, 0], sizes = [2, 8, 128], strides = [1, 1, 1]} : vector<4x8x128xf32> to vector<2x8x128xf32>
    %slice3A_786 = vector.extract_strided_slice %add3A_784 {offsets = [2, 0, 0], sizes = [2, 8, 128], strides = [1, 1, 1]} : vector<4x8x128xf32> to vector<2x8x128xf32>
    %add3A_787 = arith.addf %slice3A_785, %slice3A_786 : vector<2x8x128xf32>
    %slice3A_788 = vector.extract_strided_slice %add3A_787 {offsets = [0, 0, 0], sizes = [1, 8, 128], strides = [1, 1, 1]} : vector<2x8x128xf32> to vector<1x8x128xf32>
    %slice3A_789 = vector.extract_strided_slice %add3A_787 {offsets = [1, 0, 0], sizes = [1, 8, 128], strides = [1, 1, 1]} : vector<2x8x128xf32> to vector<1x8x128xf32>
    %add3A_790 = arith.addf %slice3A_788, %slice3A_789 : vector<1x8x128xf32>
    %squeeze3A_791 = vector.shape_cast %add3A_790 : vector<1x8x128xf32> to vector<8x128xf32>
    %reduce_sum3A_792 = arith.constant dense<0.000000e+00> : vector<128xf32>
    %reduce_sum3A_793 = vector.multi_reduction <add>, %squeeze3A_791, %reduce_sum3A_792 [0] : vector<8x128xf32> to vector<128xf32>
    %broadcast_in_dim3A_794 = vector.shape_cast %reduce_sum3A_793 : vector<128xf32> to vector<1x128xf32>
    %add3A_795 = arith.addf %add3A_750, %broadcast_in_dim3A_794 : vector<1x128xf32>
    %dma_wait3A_796 = arith.constant 15 : i32
    %dma_wait3A_797 = arith.constant 0 : i32
    %dma_wait3A_798 = arith.constant 0 : i32
    %dma_wait3A_799 = tpu.memref_slice %arg2[%dma_wait3A_796, %dma_wait3A_797, %dma_wait3A_798] : memref<16x512x128xf32, #tpu.memory_space<vmem>> -> memref<1x512x128xf32, #tpu.memory_space<vmem>>
    %dma_wait3A_800 = tpu.memref_squeeze %dma_wait3A_799 : memref<1x512x128xf32, #tpu.memory_space<vmem>> -> memref<512x128xf32, #tpu.memory_space<vmem>>
    %dma_wait3A_801 = arith.constant 7680 : i32
    %dma_wait3A_802 = arith.constant 0 : i32
    %dma_wait3A_803 = tpu.memref_slice %arg0[%dma_wait3A_801, %dma_wait3A_802] : memref<16384x128xf32, #tpu.memory_space<any>> -> memref<512x128xf32, #tpu.memory_space<any>>
    tpu.wait_dma2 semaphore(%arg18 : memref<!tpu.dma_semaphore, #tpu.memory_space<semaphore_mem>>) src(%dma_wait3A_803 : memref<512x128xf32, #tpu.memory_space<any>>) dst(%dma_wait3A_800 : memref<512x128xf32, #tpu.memory_space<vmem>>)
    %get3A_804 = arith.constant 15 : index
    %get3A_805 = arith.constant 0 : index
    %get3A_806 = arith.constant 0 : index
    %get3A_807 = vector.load %arg2[%get3A_804, %get3A_805, %get3A_806] : memref<16x512x128xf32, #tpu.memory_space<vmem>>, vector<1x512x128xf32>
    %get3A_808 = vector.shape_cast %get3A_807 : vector<1x512x128xf32> to vector<512x128xf32>
    %reshape3A_809 = vector.shape_cast %get3A_808 : vector<512x128xf32> to vector<64x8x128xf32>
    %dma_start3A_810 = arith.constant 15 : i32
    %dma_start3A_811 = arith.constant 0 : i32
    %dma_start3A_812 = arith.constant 0 : i32
    %dma_start3A_813 = tpu.memref_slice %arg2[%dma_start3A_810, %dma_start3A_811, %dma_start3A_812] : memref<16x512x128xf32, #tpu.memory_space<vmem>> -> memref<1x512x128xf32, #tpu.memory_space<vmem>>
    %dma_start3A_814 = tpu.memref_squeeze %dma_start3A_813 : memref<1x512x128xf32, #tpu.memory_space<vmem>> -> memref<512x128xf32, #tpu.memory_space<vmem>>
    %dma_start3A_815 = arith.constant 15872 : i32
    %dma_start3A_816 = arith.constant 0 : i32
    %dma_start3A_817 = tpu.memref_slice %arg0[%dma_start3A_815, %dma_start3A_816] : memref<16384x128xf32, #tpu.memory_space<any>> -> memref<512x128xf32, #tpu.memory_space<any>>
    tpu.enqueue_dma source(%dma_start3A_817 : memref<512x128xf32, #tpu.memory_space<any>>) target(%dma_start3A_814 : memref<512x128xf32, #tpu.memory_space<vmem>>) target_semaphore(%arg18 : memref<!tpu.dma_semaphore, #tpu.memory_space<semaphore_mem>>)
    %slice3A_818 = vector.extract_strided_slice %reshape3A_809 {offsets = [0, 0, 0], sizes = [32, 8, 128], strides = [1, 1, 1]} : vector<64x8x128xf32> to vector<32x8x128xf32>
    %slice3A_819 = vector.extract_strided_slice %reshape3A_809 {offsets = [32, 0, 0], sizes = [32, 8, 128], strides = [1, 1, 1]} : vector<64x8x128xf32> to vector<32x8x128xf32>
    %add3A_820 = arith.addf %slice3A_818, %slice3A_819 : vector<32x8x128xf32>
    %slice3A_821 = vector.extract_strided_slice %add3A_820 {offsets = [0, 0, 0], sizes = [16, 8, 128], strides = [1, 1, 1]} : vector<32x8x128xf32> to vector<16x8x128xf32>
    %slice3A_822 = vector.extract_strided_slice %add3A_820 {offsets = [16, 0, 0], sizes = [16, 8, 128], strides = [1, 1, 1]} : vector<32x8x128xf32> to vector<16x8x128xf32>
    %add3A_823 = arith.addf %slice3A_821, %slice3A_822 : vector<16x8x128xf32>
    %slice3A_824 = vector.extract_strided_slice %add3A_823 {offsets = [0, 0, 0], sizes = [8, 8, 128], strides = [1, 1, 1]} : vector<16x8x128xf32> to vector<8x8x128xf32>
    %slice3A_825 = vector.extract_strided_slice %add3A_823 {offsets = [8, 0, 0], sizes = [8, 8, 128], strides = [1, 1, 1]} : vector<16x8x128xf32> to vector<8x8x128xf32>
    %add3A_826 = arith.addf %slice3A_824, %slice3A_825 : vector<8x8x128xf32>
    %slice3A_827 = vector.extract_strided_slice %add3A_826 {offsets = [0, 0, 0], sizes = [4, 8, 128], strides = [1, 1, 1]} : vector<8x8x128xf32> to vector<4x8x128xf32>
    %slice3A_828 = vector.extract_strided_slice %add3A_826 {offsets = [4, 0, 0], sizes = [4, 8, 128], strides = [1, 1, 1]} : vector<8x8x128xf32> to vector<4x8x128xf32>
    %add3A_829 = arith.addf %slice3A_827, %slice3A_828 : vector<4x8x128xf32>
    %slice3A_830 = vector.extract_strided_slice %add3A_829 {offsets = [0, 0, 0], sizes = [2, 8, 128], strides = [1, 1, 1]} : vector<4x8x128xf32> to vector<2x8x128xf32>
    %slice3A_831 = vector.extract_strided_slice %add3A_829 {offsets = [2, 0, 0], sizes = [2, 8, 128], strides = [1, 1, 1]} : vector<4x8x128xf32> to vector<2x8x128xf32>
    %add3A_832 = arith.addf %slice3A_830, %slice3A_831 : vector<2x8x128xf32>
    %slice3A_833 = vector.extract_strided_slice %add3A_832 {offsets = [0, 0, 0], sizes = [1, 8, 128], strides = [1, 1, 1]} : vector<2x8x128xf32> to vector<1x8x128xf32>
    %slice3A_834 = vector.extract_strided_slice %add3A_832 {offsets = [1, 0, 0], sizes = [1, 8, 128], strides = [1, 1, 1]} : vector<2x8x128xf32> to vector<1x8x128xf32>
    %add3A_835 = arith.addf %slice3A_833, %slice3A_834 : vector<1x8x128xf32>
    %squeeze3A_836 = vector.shape_cast %add3A_835 : vector<1x8x128xf32> to vector<8x128xf32>
    %reduce_sum3A_837 = arith.constant dense<0.000000e+00> : vector<128xf32>
    %reduce_sum3A_838 = vector.multi_reduction <add>, %squeeze3A_836, %reduce_sum3A_837 [0] : vector<8x128xf32> to vector<128xf32>
    %broadcast_in_dim3A_839 = vector.shape_cast %reduce_sum3A_838 : vector<128xf32> to vector<1x128xf32>
    %add3A_840 = arith.addf %add3A_795, %broadcast_in_dim3A_839 : vector<1x128xf32>
    %dma_wait3A_841 = arith.constant 0 : i32
    %dma_wait3A_842 = arith.constant 0 : i32
    %dma_wait3A_843 = arith.constant 0 : i32
    %dma_wait3A_844 = tpu.memref_slice %arg2[%dma_wait3A_841, %dma_wait3A_842, %dma_wait3A_843] : memref<16x512x128xf32, #tpu.memory_space<vmem>> -> memref<1x512x128xf32, #tpu.memory_space<vmem>>
    %dma_wait3A_845 = tpu.memref_squeeze %dma_wait3A_844 : memref<1x512x128xf32, #tpu.memory_space<vmem>> -> memref<512x128xf32, #tpu.memory_space<vmem>>
    %dma_wait3A_846 = arith.constant 8192 : i32
    %dma_wait3A_847 = arith.constant 0 : i32
    %dma_wait3A_848 = tpu.memref_slice %arg0[%dma_wait3A_846, %dma_wait3A_847] : memref<16384x128xf32, #tpu.memory_space<any>> -> memref<512x128xf32, #tpu.memory_space<any>>
    tpu.wait_dma2 semaphore(%arg3 : memref<!tpu.dma_semaphore, #tpu.memory_space<semaphore_mem>>) src(%dma_wait3A_848 : memref<512x128xf32, #tpu.memory_space<any>>) dst(%dma_wait3A_845 : memref<512x128xf32, #tpu.memory_space<vmem>>)
    %get3A_849 = arith.constant 0 : index
    %get3A_850 = arith.constant 0 : index
    %get3A_851 = arith.constant 0 : index
    %get3A_852 = vector.load %arg2[%get3A_849, %get3A_850, %get3A_851] : memref<16x512x128xf32, #tpu.memory_space<vmem>>, vector<1x512x128xf32>
    %get3A_853 = vector.shape_cast %get3A_852 : vector<1x512x128xf32> to vector<512x128xf32>
    %reshape3A_854 = vector.shape_cast %get3A_853 : vector<512x128xf32> to vector<64x8x128xf32>
    %slice3A_855 = vector.extract_strided_slice %reshape3A_854 {offsets = [0, 0, 0], sizes = [32, 8, 128], strides = [1, 1, 1]} : vector<64x8x128xf32> to vector<32x8x128xf32>
    %slice3A_856 = vector.extract_strided_slice %reshape3A_854 {offsets = [32, 0, 0], sizes = [32, 8, 128], strides = [1, 1, 1]} : vector<64x8x128xf32> to vector<32x8x128xf32>
    %add3A_857 = arith.addf %slice3A_855, %slice3A_856 : vector<32x8x128xf32>
    %slice3A_858 = vector.extract_strided_slice %add3A_857 {offsets = [0, 0, 0], sizes = [16, 8, 128], strides = [1, 1, 1]} : vector<32x8x128xf32> to vector<16x8x128xf32>
    %slice3A_859 = vector.extract_strided_slice %add3A_857 {offsets = [16, 0, 0], sizes = [16, 8, 128], strides = [1, 1, 1]} : vector<32x8x128xf32> to vector<16x8x128xf32>
    %add3A_860 = arith.addf %slice3A_858, %slice3A_859 : vector<16x8x128xf32>
    %slice3A_861 = vector.extract_strided_slice %add3A_860 {offsets = [0, 0, 0], sizes = [8, 8, 128], strides = [1, 1, 1]} : vector<16x8x128xf32> to vector<8x8x128xf32>
    %slice3A_862 = vector.extract_strided_slice %add3A_860 {offsets = [8, 0, 0], sizes = [8, 8, 128], strides = [1, 1, 1]} : vector<16x8x128xf32> to vector<8x8x128xf32>
    %add3A_863 = arith.addf %slice3A_861, %slice3A_862 : vector<8x8x128xf32>
    %slice3A_864 = vector.extract_strided_slice %add3A_863 {offsets = [0, 0, 0], sizes = [4, 8, 128], strides = [1, 1, 1]} : vector<8x8x128xf32> to vector<4x8x128xf32>
    %slice3A_865 = vector.extract_strided_slice %add3A_863 {offsets = [4, 0, 0], sizes = [4, 8, 128], strides = [1, 1, 1]} : vector<8x8x128xf32> to vector<4x8x128xf32>
    %add3A_866 = arith.addf %slice3A_864, %slice3A_865 : vector<4x8x128xf32>
    %slice3A_867 = vector.extract_strided_slice %add3A_866 {offsets = [0, 0, 0], sizes = [2, 8, 128], strides = [1, 1, 1]} : vector<4x8x128xf32> to vector<2x8x128xf32>
    %slice3A_868 = vector.extract_strided_slice %add3A_866 {offsets = [2, 0, 0], sizes = [2, 8, 128], strides = [1, 1, 1]} : vector<4x8x128xf32> to vector<2x8x128xf32>
    %add3A_869 = arith.addf %slice3A_867, %slice3A_868 : vector<2x8x128xf32>
    %slice3A_870 = vector.extract_strided_slice %add3A_869 {offsets = [0, 0, 0], sizes = [1, 8, 128], strides = [1, 1, 1]} : vector<2x8x128xf32> to vector<1x8x128xf32>
    %slice3A_871 = vector.extract_strided_slice %add3A_869 {offsets = [1, 0, 0], sizes = [1, 8, 128], strides = [1, 1, 1]} : vector<2x8x128xf32> to vector<1x8x128xf32>
    %add3A_872 = arith.addf %slice3A_870, %slice3A_871 : vector<1x8x128xf32>
    %squeeze3A_873 = vector.shape_cast %add3A_872 : vector<1x8x128xf32> to vector<8x128xf32>
    %reduce_sum3A_874 = arith.constant dense<0.000000e+00> : vector<128xf32>
    %reduce_sum3A_875 = vector.multi_reduction <add>, %squeeze3A_873, %reduce_sum3A_874 [0] : vector<8x128xf32> to vector<128xf32>
    %broadcast_in_dim3A_876 = vector.shape_cast %reduce_sum3A_875 : vector<128xf32> to vector<1x128xf32>
    %add3A_877 = arith.addf %add3A_840, %broadcast_in_dim3A_876 : vector<1x128xf32>
    %dma_wait3A_878 = arith.constant 1 : i32
    %dma_wait3A_879 = arith.constant 0 : i32
    %dma_wait3A_880 = arith.constant 0 : i32
    %dma_wait3A_881 = tpu.memref_slice %arg2[%dma_wait3A_878, %dma_wait3A_879, %dma_wait3A_880] : memref<16x512x128xf32, #tpu.memory_space<vmem>> -> memref<1x512x128xf32, #tpu.memory_space<vmem>>
    %dma_wait3A_882 = tpu.memref_squeeze %dma_wait3A_881 : memref<1x512x128xf32, #tpu.memory_space<vmem>> -> memref<512x128xf32, #tpu.memory_space<vmem>>
    %dma_wait3A_883 = arith.constant 8704 : i32
    %dma_wait3A_884 = arith.constant 0 : i32
    %dma_wait3A_885 = tpu.memref_slice %arg0[%dma_wait3A_883, %dma_wait3A_884] : memref<16384x128xf32, #tpu.memory_space<any>> -> memref<512x128xf32, #tpu.memory_space<any>>
    tpu.wait_dma2 semaphore(%arg4 : memref<!tpu.dma_semaphore, #tpu.memory_space<semaphore_mem>>) src(%dma_wait3A_885 : memref<512x128xf32, #tpu.memory_space<any>>) dst(%dma_wait3A_882 : memref<512x128xf32, #tpu.memory_space<vmem>>)
    %get3A_886 = arith.constant 1 : index
    %get3A_887 = arith.constant 0 : index
    %get3A_888 = arith.constant 0 : index
    %get3A_889 = vector.load %arg2[%get3A_886, %get3A_887, %get3A_888] : memref<16x512x128xf32, #tpu.memory_space<vmem>>, vector<1x512x128xf32>
    %get3A_890 = vector.shape_cast %get3A_889 : vector<1x512x128xf32> to vector<512x128xf32>
    %reshape3A_891 = vector.shape_cast %get3A_890 : vector<512x128xf32> to vector<64x8x128xf32>
    %slice3A_892 = vector.extract_strided_slice %reshape3A_891 {offsets = [0, 0, 0], sizes = [32, 8, 128], strides = [1, 1, 1]} : vector<64x8x128xf32> to vector<32x8x128xf32>
    %slice3A_893 = vector.extract_strided_slice %reshape3A_891 {offsets = [32, 0, 0], sizes = [32, 8, 128], strides = [1, 1, 1]} : vector<64x8x128xf32> to vector<32x8x128xf32>
    %add3A_894 = arith.addf %slice3A_892, %slice3A_893 : vector<32x8x128xf32>
    %slice3A_895 = vector.extract_strided_slice %add3A_894 {offsets = [0, 0, 0], sizes = [16, 8, 128], strides = [1, 1, 1]} : vector<32x8x128xf32> to vector<16x8x128xf32>
    %slice3A_896 = vector.extract_strided_slice %add3A_894 {offsets = [16, 0, 0], sizes = [16, 8, 128], strides = [1, 1, 1]} : vector<32x8x128xf32> to vector<16x8x128xf32>
    %add3A_897 = arith.addf %slice3A_895, %slice3A_896 : vector<16x8x128xf32>
    %slice3A_898 = vector.extract_strided_slice %add3A_897 {offsets = [0, 0, 0], sizes = [8, 8, 128], strides = [1, 1, 1]} : vector<16x8x128xf32> to vector<8x8x128xf32>
    %slice3A_899 = vector.extract_strided_slice %add3A_897 {offsets = [8, 0, 0], sizes = [8, 8, 128], strides = [1, 1, 1]} : vector<16x8x128xf32> to vector<8x8x128xf32>
    %add3A_900 = arith.addf %slice3A_898, %slice3A_899 : vector<8x8x128xf32>
    %slice3A_901 = vector.extract_strided_slice %add3A_900 {offsets = [0, 0, 0], sizes = [4, 8, 128], strides = [1, 1, 1]} : vector<8x8x128xf32> to vector<4x8x128xf32>
    %slice3A_902 = vector.extract_strided_slice %add3A_900 {offsets = [4, 0, 0], sizes = [4, 8, 128], strides = [1, 1, 1]} : vector<8x8x128xf32> to vector<4x8x128xf32>
    %add3A_903 = arith.addf %slice3A_901, %slice3A_902 : vector<4x8x128xf32>
    %slice3A_904 = vector.extract_strided_slice %add3A_903 {offsets = [0, 0, 0], sizes = [2, 8, 128], strides = [1, 1, 1]} : vector<4x8x128xf32> to vector<2x8x128xf32>
    %slice3A_905 = vector.extract_strided_slice %add3A_903 {offsets = [2, 0, 0], sizes = [2, 8, 128], strides = [1, 1, 1]} : vector<4x8x128xf32> to vector<2x8x128xf32>
    %add3A_906 = arith.addf %slice3A_904, %slice3A_905 : vector<2x8x128xf32>
    %slice3A_907 = vector.extract_strided_slice %add3A_906 {offsets = [0, 0, 0], sizes = [1, 8, 128], strides = [1, 1, 1]} : vector<2x8x128xf32> to vector<1x8x128xf32>
    %slice3A_908 = vector.extract_strided_slice %add3A_906 {offsets = [1, 0, 0], sizes = [1, 8, 128], strides = [1, 1, 1]} : vector<2x8x128xf32> to vector<1x8x128xf32>
    %add3A_909 = arith.addf %slice3A_907, %slice3A_908 : vector<1x8x128xf32>
    %squeeze3A_910 = vector.shape_cast %add3A_909 : vector<1x8x128xf32> to vector<8x128xf32>
    %reduce_sum3A_911 = arith.constant dense<0.000000e+00> : vector<128xf32>
    %reduce_sum3A_912 = vector.multi_reduction <add>, %squeeze3A_910, %reduce_sum3A_911 [0] : vector<8x128xf32> to vector<128xf32>
    %broadcast_in_dim3A_913 = vector.shape_cast %reduce_sum3A_912 : vector<128xf32> to vector<1x128xf32>
    %add3A_914 = arith.addf %add3A_877, %broadcast_in_dim3A_913 : vector<1x128xf32>
    %dma_wait3A_915 = arith.constant 2 : i32
    %dma_wait3A_916 = arith.constant 0 : i32
    %dma_wait3A_917 = arith.constant 0 : i32
    %dma_wait3A_918 = tpu.memref_slice %arg2[%dma_wait3A_915, %dma_wait3A_916, %dma_wait3A_917] : memref<16x512x128xf32, #tpu.memory_space<vmem>> -> memref<1x512x128xf32, #tpu.memory_space<vmem>>
    %dma_wait3A_919 = tpu.memref_squeeze %dma_wait3A_918 : memref<1x512x128xf32, #tpu.memory_space<vmem>> -> memref<512x128xf32, #tpu.memory_space<vmem>>
    %dma_wait3A_920 = arith.constant 9216 : i32
    %dma_wait3A_921 = arith.constant 0 : i32
    %dma_wait3A_922 = tpu.memref_slice %arg0[%dma_wait3A_920, %dma_wait3A_921] : memref<16384x128xf32, #tpu.memory_space<any>> -> memref<512x128xf32, #tpu.memory_space<any>>
    tpu.wait_dma2 semaphore(%arg5 : memref<!tpu.dma_semaphore, #tpu.memory_space<semaphore_mem>>) src(%dma_wait3A_922 : memref<512x128xf32, #tpu.memory_space<any>>) dst(%dma_wait3A_919 : memref<512x128xf32, #tpu.memory_space<vmem>>)
    %get3A_923 = arith.constant 2 : index
    %get3A_924 = arith.constant 0 : index
    %get3A_925 = arith.constant 0 : index
    %get3A_926 = vector.load %arg2[%get3A_923, %get3A_924, %get3A_925] : memref<16x512x128xf32, #tpu.memory_space<vmem>>, vector<1x512x128xf32>
    %get3A_927 = vector.shape_cast %get3A_926 : vector<1x512x128xf32> to vector<512x128xf32>
    %reshape3A_928 = vector.shape_cast %get3A_927 : vector<512x128xf32> to vector<64x8x128xf32>
    %slice3A_929 = vector.extract_strided_slice %reshape3A_928 {offsets = [0, 0, 0], sizes = [32, 8, 128], strides = [1, 1, 1]} : vector<64x8x128xf32> to vector<32x8x128xf32>
    %slice3A_930 = vector.extract_strided_slice %reshape3A_928 {offsets = [32, 0, 0], sizes = [32, 8, 128], strides = [1, 1, 1]} : vector<64x8x128xf32> to vector<32x8x128xf32>
    %add3A_931 = arith.addf %slice3A_929, %slice3A_930 : vector<32x8x128xf32>
    %slice3A_932 = vector.extract_strided_slice %add3A_931 {offsets = [0, 0, 0], sizes = [16, 8, 128], strides = [1, 1, 1]} : vector<32x8x128xf32> to vector<16x8x128xf32>
    %slice3A_933 = vector.extract_strided_slice %add3A_931 {offsets = [16, 0, 0], sizes = [16, 8, 128], strides = [1, 1, 1]} : vector<32x8x128xf32> to vector<16x8x128xf32>
    %add3A_934 = arith.addf %slice3A_932, %slice3A_933 : vector<16x8x128xf32>
    %slice3A_935 = vector.extract_strided_slice %add3A_934 {offsets = [0, 0, 0], sizes = [8, 8, 128], strides = [1, 1, 1]} : vector<16x8x128xf32> to vector<8x8x128xf32>
    %slice3A_936 = vector.extract_strided_slice %add3A_934 {offsets = [8, 0, 0], sizes = [8, 8, 128], strides = [1, 1, 1]} : vector<16x8x128xf32> to vector<8x8x128xf32>
    %add3A_937 = arith.addf %slice3A_935, %slice3A_936 : vector<8x8x128xf32>
    %slice3A_938 = vector.extract_strided_slice %add3A_937 {offsets = [0, 0, 0], sizes = [4, 8, 128], strides = [1, 1, 1]} : vector<8x8x128xf32> to vector<4x8x128xf32>
    %slice3A_939 = vector.extract_strided_slice %add3A_937 {offsets = [4, 0, 0], sizes = [4, 8, 128], strides = [1, 1, 1]} : vector<8x8x128xf32> to vector<4x8x128xf32>
    %add3A_940 = arith.addf %slice3A_938, %slice3A_939 : vector<4x8x128xf32>
    %slice3A_941 = vector.extract_strided_slice %add3A_940 {offsets = [0, 0, 0], sizes = [2, 8, 128], strides = [1, 1, 1]} : vector<4x8x128xf32> to vector<2x8x128xf32>
    %slice3A_942 = vector.extract_strided_slice %add3A_940 {offsets = [2, 0, 0], sizes = [2, 8, 128], strides = [1, 1, 1]} : vector<4x8x128xf32> to vector<2x8x128xf32>
    %add3A_943 = arith.addf %slice3A_941, %slice3A_942 : vector<2x8x128xf32>
    %slice3A_944 = vector.extract_strided_slice %add3A_943 {offsets = [0, 0, 0], sizes = [1, 8, 128], strides = [1, 1, 1]} : vector<2x8x128xf32> to vector<1x8x128xf32>
    %slice3A_945 = vector.extract_strided_slice %add3A_943 {offsets = [1, 0, 0], sizes = [1, 8, 128], strides = [1, 1, 1]} : vector<2x8x128xf32> to vector<1x8x128xf32>
    %add3A_946 = arith.addf %slice3A_944, %slice3A_945 : vector<1x8x128xf32>
    %squeeze3A_947 = vector.shape_cast %add3A_946 : vector<1x8x128xf32> to vector<8x128xf32>
    %reduce_sum3A_948 = arith.constant dense<0.000000e+00> : vector<128xf32>
    %reduce_sum3A_949 = vector.multi_reduction <add>, %squeeze3A_947, %reduce_sum3A_948 [0] : vector<8x128xf32> to vector<128xf32>
    %broadcast_in_dim3A_950 = vector.shape_cast %reduce_sum3A_949 : vector<128xf32> to vector<1x128xf32>
    %add3A_951 = arith.addf %add3A_914, %broadcast_in_dim3A_950 : vector<1x128xf32>
    %dma_wait3A_952 = arith.constant 3 : i32
    %dma_wait3A_953 = arith.constant 0 : i32
    %dma_wait3A_954 = arith.constant 0 : i32
    %dma_wait3A_955 = tpu.memref_slice %arg2[%dma_wait3A_952, %dma_wait3A_953, %dma_wait3A_954] : memref<16x512x128xf32, #tpu.memory_space<vmem>> -> memref<1x512x128xf32, #tpu.memory_space<vmem>>
    %dma_wait3A_956 = tpu.memref_squeeze %dma_wait3A_955 : memref<1x512x128xf32, #tpu.memory_space<vmem>> -> memref<512x128xf32, #tpu.memory_space<vmem>>
    %dma_wait3A_957 = arith.constant 9728 : i32
    %dma_wait3A_958 = arith.constant 0 : i32
    %dma_wait3A_959 = tpu.memref_slice %arg0[%dma_wait3A_957, %dma_wait3A_958] : memref<16384x128xf32, #tpu.memory_space<any>> -> memref<512x128xf32, #tpu.memory_space<any>>
    tpu.wait_dma2 semaphore(%arg6 : memref<!tpu.dma_semaphore, #tpu.memory_space<semaphore_mem>>) src(%dma_wait3A_959 : memref<512x128xf32, #tpu.memory_space<any>>) dst(%dma_wait3A_956 : memref<512x128xf32, #tpu.memory_space<vmem>>)
    %get3A_960 = arith.constant 3 : index
    %get3A_961 = arith.constant 0 : index
    %get3A_962 = arith.constant 0 : index
    %get3A_963 = vector.load %arg2[%get3A_960, %get3A_961, %get3A_962] : memref<16x512x128xf32, #tpu.memory_space<vmem>>, vector<1x512x128xf32>
    %get3A_964 = vector.shape_cast %get3A_963 : vector<1x512x128xf32> to vector<512x128xf32>
    %reshape3A_965 = vector.shape_cast %get3A_964 : vector<512x128xf32> to vector<64x8x128xf32>
    %slice3A_966 = vector.extract_strided_slice %reshape3A_965 {offsets = [0, 0, 0], sizes = [32, 8, 128], strides = [1, 1, 1]} : vector<64x8x128xf32> to vector<32x8x128xf32>
    %slice3A_967 = vector.extract_strided_slice %reshape3A_965 {offsets = [32, 0, 0], sizes = [32, 8, 128], strides = [1, 1, 1]} : vector<64x8x128xf32> to vector<32x8x128xf32>
    %add3A_968 = arith.addf %slice3A_966, %slice3A_967 : vector<32x8x128xf32>
    %slice3A_969 = vector.extract_strided_slice %add3A_968 {offsets = [0, 0, 0], sizes = [16, 8, 128], strides = [1, 1, 1]} : vector<32x8x128xf32> to vector<16x8x128xf32>
    %slice3A_970 = vector.extract_strided_slice %add3A_968 {offsets = [16, 0, 0], sizes = [16, 8, 128], strides = [1, 1, 1]} : vector<32x8x128xf32> to vector<16x8x128xf32>
    %add3A_971 = arith.addf %slice3A_969, %slice3A_970 : vector<16x8x128xf32>
    %slice3A_972 = vector.extract_strided_slice %add3A_971 {offsets = [0, 0, 0], sizes = [8, 8, 128], strides = [1, 1, 1]} : vector<16x8x128xf32> to vector<8x8x128xf32>
    %slice3A_973 = vector.extract_strided_slice %add3A_971 {offsets = [8, 0, 0], sizes = [8, 8, 128], strides = [1, 1, 1]} : vector<16x8x128xf32> to vector<8x8x128xf32>
    %add3A_974 = arith.addf %slice3A_972, %slice3A_973 : vector<8x8x128xf32>
    %slice3A_975 = vector.extract_strided_slice %add3A_974 {offsets = [0, 0, 0], sizes = [4, 8, 128], strides = [1, 1, 1]} : vector<8x8x128xf32> to vector<4x8x128xf32>
    %slice3A_976 = vector.extract_strided_slice %add3A_974 {offsets = [4, 0, 0], sizes = [4, 8, 128], strides = [1, 1, 1]} : vector<8x8x128xf32> to vector<4x8x128xf32>
    %add3A_977 = arith.addf %slice3A_975, %slice3A_976 : vector<4x8x128xf32>
    %slice3A_978 = vector.extract_strided_slice %add3A_977 {offsets = [0, 0, 0], sizes = [2, 8, 128], strides = [1, 1, 1]} : vector<4x8x128xf32> to vector<2x8x128xf32>
    %slice3A_979 = vector.extract_strided_slice %add3A_977 {offsets = [2, 0, 0], sizes = [2, 8, 128], strides = [1, 1, 1]} : vector<4x8x128xf32> to vector<2x8x128xf32>
    %add3A_980 = arith.addf %slice3A_978, %slice3A_979 : vector<2x8x128xf32>
    %slice3A_981 = vector.extract_strided_slice %add3A_980 {offsets = [0, 0, 0], sizes = [1, 8, 128], strides = [1, 1, 1]} : vector<2x8x128xf32> to vector<1x8x128xf32>
    %slice3A_982 = vector.extract_strided_slice %add3A_980 {offsets = [1, 0, 0], sizes = [1, 8, 128], strides = [1, 1, 1]} : vector<2x8x128xf32> to vector<1x8x128xf32>
    %add3A_983 = arith.addf %slice3A_981, %slice3A_982 : vector<1x8x128xf32>
    %squeeze3A_984 = vector.shape_cast %add3A_983 : vector<1x8x128xf32> to vector<8x128xf32>
    %reduce_sum3A_985 = arith.constant dense<0.000000e+00> : vector<128xf32>
    %reduce_sum3A_986 = vector.multi_reduction <add>, %squeeze3A_984, %reduce_sum3A_985 [0] : vector<8x128xf32> to vector<128xf32>
    %broadcast_in_dim3A_987 = vector.shape_cast %reduce_sum3A_986 : vector<128xf32> to vector<1x128xf32>
    %add3A_988 = arith.addf %add3A_951, %broadcast_in_dim3A_987 : vector<1x128xf32>
    %dma_wait3A_989 = arith.constant 4 : i32
    %dma_wait3A_990 = arith.constant 0 : i32
    %dma_wait3A_991 = arith.constant 0 : i32
    %dma_wait3A_992 = tpu.memref_slice %arg2[%dma_wait3A_989, %dma_wait3A_990, %dma_wait3A_991] : memref<16x512x128xf32, #tpu.memory_space<vmem>> -> memref<1x512x128xf32, #tpu.memory_space<vmem>>
    %dma_wait3A_993 = tpu.memref_squeeze %dma_wait3A_992 : memref<1x512x128xf32, #tpu.memory_space<vmem>> -> memref<512x128xf32, #tpu.memory_space<vmem>>
    %dma_wait3A_994 = arith.constant 10240 : i32
    %dma_wait3A_995 = arith.constant 0 : i32
    %dma_wait3A_996 = tpu.memref_slice %arg0[%dma_wait3A_994, %dma_wait3A_995] : memref<16384x128xf32, #tpu.memory_space<any>> -> memref<512x128xf32, #tpu.memory_space<any>>
    tpu.wait_dma2 semaphore(%arg7 : memref<!tpu.dma_semaphore, #tpu.memory_space<semaphore_mem>>) src(%dma_wait3A_996 : memref<512x128xf32, #tpu.memory_space<any>>) dst(%dma_wait3A_993 : memref<512x128xf32, #tpu.memory_space<vmem>>)
    %get3A_997 = arith.constant 4 : index
    %get3A_998 = arith.constant 0 : index
    %get3A_999 = arith.constant 0 : index
    %get3A_1000 = vector.load %arg2[%get3A_997, %get3A_998, %get3A_999] : memref<16x512x128xf32, #tpu.memory_space<vmem>>, vector<1x512x128xf32>
    %get3A_1001 = vector.shape_cast %get3A_1000 : vector<1x512x128xf32> to vector<512x128xf32>
    %reshape3A_1002 = vector.shape_cast %get3A_1001 : vector<512x128xf32> to vector<64x8x128xf32>
    %slice3A_1003 = vector.extract_strided_slice %reshape3A_1002 {offsets = [0, 0, 0], sizes = [32, 8, 128], strides = [1, 1, 1]} : vector<64x8x128xf32> to vector<32x8x128xf32>
    %slice3A_1004 = vector.extract_strided_slice %reshape3A_1002 {offsets = [32, 0, 0], sizes = [32, 8, 128], strides = [1, 1, 1]} : vector<64x8x128xf32> to vector<32x8x128xf32>
    %add3A_1005 = arith.addf %slice3A_1003, %slice3A_1004 : vector<32x8x128xf32>
    %slice3A_1006 = vector.extract_strided_slice %add3A_1005 {offsets = [0, 0, 0], sizes = [16, 8, 128], strides = [1, 1, 1]} : vector<32x8x128xf32> to vector<16x8x128xf32>
    %slice3A_1007 = vector.extract_strided_slice %add3A_1005 {offsets = [16, 0, 0], sizes = [16, 8, 128], strides = [1, 1, 1]} : vector<32x8x128xf32> to vector<16x8x128xf32>
    %add3A_1008 = arith.addf %slice3A_1006, %slice3A_1007 : vector<16x8x128xf32>
    %slice3A_1009 = vector.extract_strided_slice %add3A_1008 {offsets = [0, 0, 0], sizes = [8, 8, 128], strides = [1, 1, 1]} : vector<16x8x128xf32> to vector<8x8x128xf32>
    %slice3A_1010 = vector.extract_strided_slice %add3A_1008 {offsets = [8, 0, 0], sizes = [8, 8, 128], strides = [1, 1, 1]} : vector<16x8x128xf32> to vector<8x8x128xf32>
    %add3A_1011 = arith.addf %slice3A_1009, %slice3A_1010 : vector<8x8x128xf32>
    %slice3A_1012 = vector.extract_strided_slice %add3A_1011 {offsets = [0, 0, 0], sizes = [4, 8, 128], strides = [1, 1, 1]} : vector<8x8x128xf32> to vector<4x8x128xf32>
    %slice3A_1013 = vector.extract_strided_slice %add3A_1011 {offsets = [4, 0, 0], sizes = [4, 8, 128], strides = [1, 1, 1]} : vector<8x8x128xf32> to vector<4x8x128xf32>
    %add3A_1014 = arith.addf %slice3A_1012, %slice3A_1013 : vector<4x8x128xf32>
    %slice3A_1015 = vector.extract_strided_slice %add3A_1014 {offsets = [0, 0, 0], sizes = [2, 8, 128], strides = [1, 1, 1]} : vector<4x8x128xf32> to vector<2x8x128xf32>
    %slice3A_1016 = vector.extract_strided_slice %add3A_1014 {offsets = [2, 0, 0], sizes = [2, 8, 128], strides = [1, 1, 1]} : vector<4x8x128xf32> to vector<2x8x128xf32>
    %add3A_1017 = arith.addf %slice3A_1015, %slice3A_1016 : vector<2x8x128xf32>
    %slice3A_1018 = vector.extract_strided_slice %add3A_1017 {offsets = [0, 0, 0], sizes = [1, 8, 128], strides = [1, 1, 1]} : vector<2x8x128xf32> to vector<1x8x128xf32>
    %slice3A_1019 = vector.extract_strided_slice %add3A_1017 {offsets = [1, 0, 0], sizes = [1, 8, 128], strides = [1, 1, 1]} : vector<2x8x128xf32> to vector<1x8x128xf32>
    %add3A_1020 = arith.addf %slice3A_1018, %slice3A_1019 : vector<1x8x128xf32>
    %squeeze3A_1021 = vector.shape_cast %add3A_1020 : vector<1x8x128xf32> to vector<8x128xf32>
    %reduce_sum3A_1022 = arith.constant dense<0.000000e+00> : vector<128xf32>
    %reduce_sum3A_1023 = vector.multi_reduction <add>, %squeeze3A_1021, %reduce_sum3A_1022 [0] : vector<8x128xf32> to vector<128xf32>
    %broadcast_in_dim3A_1024 = vector.shape_cast %reduce_sum3A_1023 : vector<128xf32> to vector<1x128xf32>
    %add3A_1025 = arith.addf %add3A_988, %broadcast_in_dim3A_1024 : vector<1x128xf32>
    %dma_wait3A_1026 = arith.constant 5 : i32
    %dma_wait3A_1027 = arith.constant 0 : i32
    %dma_wait3A_1028 = arith.constant 0 : i32
    %dma_wait3A_1029 = tpu.memref_slice %arg2[%dma_wait3A_1026, %dma_wait3A_1027, %dma_wait3A_1028] : memref<16x512x128xf32, #tpu.memory_space<vmem>> -> memref<1x512x128xf32, #tpu.memory_space<vmem>>
    %dma_wait3A_1030 = tpu.memref_squeeze %dma_wait3A_1029 : memref<1x512x128xf32, #tpu.memory_space<vmem>> -> memref<512x128xf32, #tpu.memory_space<vmem>>
    %dma_wait3A_1031 = arith.constant 10752 : i32
    %dma_wait3A_1032 = arith.constant 0 : i32
    %dma_wait3A_1033 = tpu.memref_slice %arg0[%dma_wait3A_1031, %dma_wait3A_1032] : memref<16384x128xf32, #tpu.memory_space<any>> -> memref<512x128xf32, #tpu.memory_space<any>>
    tpu.wait_dma2 semaphore(%arg8 : memref<!tpu.dma_semaphore, #tpu.memory_space<semaphore_mem>>) src(%dma_wait3A_1033 : memref<512x128xf32, #tpu.memory_space<any>>) dst(%dma_wait3A_1030 : memref<512x128xf32, #tpu.memory_space<vmem>>)
    %get3A_1034 = arith.constant 5 : index
    %get3A_1035 = arith.constant 0 : index
    %get3A_1036 = arith.constant 0 : index
    %get3A_1037 = vector.load %arg2[%get3A_1034, %get3A_1035, %get3A_1036] : memref<16x512x128xf32, #tpu.memory_space<vmem>>, vector<1x512x128xf32>
    %get3A_1038 = vector.shape_cast %get3A_1037 : vector<1x512x128xf32> to vector<512x128xf32>
    %reshape3A_1039 = vector.shape_cast %get3A_1038 : vector<512x128xf32> to vector<64x8x128xf32>
    %slice3A_1040 = vector.extract_strided_slice %reshape3A_1039 {offsets = [0, 0, 0], sizes = [32, 8, 128], strides = [1, 1, 1]} : vector<64x8x128xf32> to vector<32x8x128xf32>
    %slice3A_1041 = vector.extract_strided_slice %reshape3A_1039 {offsets = [32, 0, 0], sizes = [32, 8, 128], strides = [1, 1, 1]} : vector<64x8x128xf32> to vector<32x8x128xf32>
    %add3A_1042 = arith.addf %slice3A_1040, %slice3A_1041 : vector<32x8x128xf32>
    %slice3A_1043 = vector.extract_strided_slice %add3A_1042 {offsets = [0, 0, 0], sizes = [16, 8, 128], strides = [1, 1, 1]} : vector<32x8x128xf32> to vector<16x8x128xf32>
    %slice3A_1044 = vector.extract_strided_slice %add3A_1042 {offsets = [16, 0, 0], sizes = [16, 8, 128], strides = [1, 1, 1]} : vector<32x8x128xf32> to vector<16x8x128xf32>
    %add3A_1045 = arith.addf %slice3A_1043, %slice3A_1044 : vector<16x8x128xf32>
    %slice3A_1046 = vector.extract_strided_slice %add3A_1045 {offsets = [0, 0, 0], sizes = [8, 8, 128], strides = [1, 1, 1]} : vector<16x8x128xf32> to vector<8x8x128xf32>
    %slice3A_1047 = vector.extract_strided_slice %add3A_1045 {offsets = [8, 0, 0], sizes = [8, 8, 128], strides = [1, 1, 1]} : vector<16x8x128xf32> to vector<8x8x128xf32>
    %add3A_1048 = arith.addf %slice3A_1046, %slice3A_1047 : vector<8x8x128xf32>
    %slice3A_1049 = vector.extract_strided_slice %add3A_1048 {offsets = [0, 0, 0], sizes = [4, 8, 128], strides = [1, 1, 1]} : vector<8x8x128xf32> to vector<4x8x128xf32>
    %slice3A_1050 = vector.extract_strided_slice %add3A_1048 {offsets = [4, 0, 0], sizes = [4, 8, 128], strides = [1, 1, 1]} : vector<8x8x128xf32> to vector<4x8x128xf32>
    %add3A_1051 = arith.addf %slice3A_1049, %slice3A_1050 : vector<4x8x128xf32>
    %slice3A_1052 = vector.extract_strided_slice %add3A_1051 {offsets = [0, 0, 0], sizes = [2, 8, 128], strides = [1, 1, 1]} : vector<4x8x128xf32> to vector<2x8x128xf32>
    %slice3A_1053 = vector.extract_strided_slice %add3A_1051 {offsets = [2, 0, 0], sizes = [2, 8, 128], strides = [1, 1, 1]} : vector<4x8x128xf32> to vector<2x8x128xf32>
    %add3A_1054 = arith.addf %slice3A_1052, %slice3A_1053 : vector<2x8x128xf32>
    %slice3A_1055 = vector.extract_strided_slice %add3A_1054 {offsets = [0, 0, 0], sizes = [1, 8, 128], strides = [1, 1, 1]} : vector<2x8x128xf32> to vector<1x8x128xf32>
    %slice3A_1056 = vector.extract_strided_slice %add3A_1054 {offsets = [1, 0, 0], sizes = [1, 8, 128], strides = [1, 1, 1]} : vector<2x8x128xf32> to vector<1x8x128xf32>
    %add3A_1057 = arith.addf %slice3A_1055, %slice3A_1056 : vector<1x8x128xf32>
    %squeeze3A_1058 = vector.shape_cast %add3A_1057 : vector<1x8x128xf32> to vector<8x128xf32>
    %reduce_sum3A_1059 = arith.constant dense<0.000000e+00> : vector<128xf32>
    %reduce_sum3A_1060 = vector.multi_reduction <add>, %squeeze3A_1058, %reduce_sum3A_1059 [0] : vector<8x128xf32> to vector<128xf32>
    %broadcast_in_dim3A_1061 = vector.shape_cast %reduce_sum3A_1060 : vector<128xf32> to vector<1x128xf32>
    %add3A_1062 = arith.addf %add3A_1025, %broadcast_in_dim3A_1061 : vector<1x128xf32>
    %dma_wait3A_1063 = arith.constant 6 : i32
    %dma_wait3A_1064 = arith.constant 0 : i32
    %dma_wait3A_1065 = arith.constant 0 : i32
    %dma_wait3A_1066 = tpu.memref_slice %arg2[%dma_wait3A_1063, %dma_wait3A_1064, %dma_wait3A_1065] : memref<16x512x128xf32, #tpu.memory_space<vmem>> -> memref<1x512x128xf32, #tpu.memory_space<vmem>>
    %dma_wait3A_1067 = tpu.memref_squeeze %dma_wait3A_1066 : memref<1x512x128xf32, #tpu.memory_space<vmem>> -> memref<512x128xf32, #tpu.memory_space<vmem>>
    %dma_wait3A_1068 = arith.constant 11264 : i32
    %dma_wait3A_1069 = arith.constant 0 : i32
    %dma_wait3A_1070 = tpu.memref_slice %arg0[%dma_wait3A_1068, %dma_wait3A_1069] : memref<16384x128xf32, #tpu.memory_space<any>> -> memref<512x128xf32, #tpu.memory_space<any>>
    tpu.wait_dma2 semaphore(%arg9 : memref<!tpu.dma_semaphore, #tpu.memory_space<semaphore_mem>>) src(%dma_wait3A_1070 : memref<512x128xf32, #tpu.memory_space<any>>) dst(%dma_wait3A_1067 : memref<512x128xf32, #tpu.memory_space<vmem>>)
    %get3A_1071 = arith.constant 6 : index
    %get3A_1072 = arith.constant 0 : index
    %get3A_1073 = arith.constant 0 : index
    %get3A_1074 = vector.load %arg2[%get3A_1071, %get3A_1072, %get3A_1073] : memref<16x512x128xf32, #tpu.memory_space<vmem>>, vector<1x512x128xf32>
    %get3A_1075 = vector.shape_cast %get3A_1074 : vector<1x512x128xf32> to vector<512x128xf32>
    %reshape3A_1076 = vector.shape_cast %get3A_1075 : vector<512x128xf32> to vector<64x8x128xf32>
    %slice3A_1077 = vector.extract_strided_slice %reshape3A_1076 {offsets = [0, 0, 0], sizes = [32, 8, 128], strides = [1, 1, 1]} : vector<64x8x128xf32> to vector<32x8x128xf32>
    %slice3A_1078 = vector.extract_strided_slice %reshape3A_1076 {offsets = [32, 0, 0], sizes = [32, 8, 128], strides = [1, 1, 1]} : vector<64x8x128xf32> to vector<32x8x128xf32>
    %add3A_1079 = arith.addf %slice3A_1077, %slice3A_1078 : vector<32x8x128xf32>
    %slice3A_1080 = vector.extract_strided_slice %add3A_1079 {offsets = [0, 0, 0], sizes = [16, 8, 128], strides = [1, 1, 1]} : vector<32x8x128xf32> to vector<16x8x128xf32>
    %slice3A_1081 = vector.extract_strided_slice %add3A_1079 {offsets = [16, 0, 0], sizes = [16, 8, 128], strides = [1, 1, 1]} : vector<32x8x128xf32> to vector<16x8x128xf32>
    %add3A_1082 = arith.addf %slice3A_1080, %slice3A_1081 : vector<16x8x128xf32>
    %slice3A_1083 = vector.extract_strided_slice %add3A_1082 {offsets = [0, 0, 0], sizes = [8, 8, 128], strides = [1, 1, 1]} : vector<16x8x128xf32> to vector<8x8x128xf32>
    %slice3A_1084 = vector.extract_strided_slice %add3A_1082 {offsets = [8, 0, 0], sizes = [8, 8, 128], strides = [1, 1, 1]} : vector<16x8x128xf32> to vector<8x8x128xf32>
    %add3A_1085 = arith.addf %slice3A_1083, %slice3A_1084 : vector<8x8x128xf32>
    %slice3A_1086 = vector.extract_strided_slice %add3A_1085 {offsets = [0, 0, 0], sizes = [4, 8, 128], strides = [1, 1, 1]} : vector<8x8x128xf32> to vector<4x8x128xf32>
    %slice3A_1087 = vector.extract_strided_slice %add3A_1085 {offsets = [4, 0, 0], sizes = [4, 8, 128], strides = [1, 1, 1]} : vector<8x8x128xf32> to vector<4x8x128xf32>
    %add3A_1088 = arith.addf %slice3A_1086, %slice3A_1087 : vector<4x8x128xf32>
    %slice3A_1089 = vector.extract_strided_slice %add3A_1088 {offsets = [0, 0, 0], sizes = [2, 8, 128], strides = [1, 1, 1]} : vector<4x8x128xf32> to vector<2x8x128xf32>
    %slice3A_1090 = vector.extract_strided_slice %add3A_1088 {offsets = [2, 0, 0], sizes = [2, 8, 128], strides = [1, 1, 1]} : vector<4x8x128xf32> to vector<2x8x128xf32>
    %add3A_1091 = arith.addf %slice3A_1089, %slice3A_1090 : vector<2x8x128xf32>
    %slice3A_1092 = vector.extract_strided_slice %add3A_1091 {offsets = [0, 0, 0], sizes = [1, 8, 128], strides = [1, 1, 1]} : vector<2x8x128xf32> to vector<1x8x128xf32>
    %slice3A_1093 = vector.extract_strided_slice %add3A_1091 {offsets = [1, 0, 0], sizes = [1, 8, 128], strides = [1, 1, 1]} : vector<2x8x128xf32> to vector<1x8x128xf32>
    %add3A_1094 = arith.addf %slice3A_1092, %slice3A_1093 : vector<1x8x128xf32>
    %squeeze3A_1095 = vector.shape_cast %add3A_1094 : vector<1x8x128xf32> to vector<8x128xf32>
    %reduce_sum3A_1096 = arith.constant dense<0.000000e+00> : vector<128xf32>
    %reduce_sum3A_1097 = vector.multi_reduction <add>, %squeeze3A_1095, %reduce_sum3A_1096 [0] : vector<8x128xf32> to vector<128xf32>
    %broadcast_in_dim3A_1098 = vector.shape_cast %reduce_sum3A_1097 : vector<128xf32> to vector<1x128xf32>
    %add3A_1099 = arith.addf %add3A_1062, %broadcast_in_dim3A_1098 : vector<1x128xf32>
    %dma_wait3A_1100 = arith.constant 7 : i32
    %dma_wait3A_1101 = arith.constant 0 : i32
    %dma_wait3A_1102 = arith.constant 0 : i32
    %dma_wait3A_1103 = tpu.memref_slice %arg2[%dma_wait3A_1100, %dma_wait3A_1101, %dma_wait3A_1102] : memref<16x512x128xf32, #tpu.memory_space<vmem>> -> memref<1x512x128xf32, #tpu.memory_space<vmem>>
    %dma_wait3A_1104 = tpu.memref_squeeze %dma_wait3A_1103 : memref<1x512x128xf32, #tpu.memory_space<vmem>> -> memref<512x128xf32, #tpu.memory_space<vmem>>
    %dma_wait3A_1105 = arith.constant 11776 : i32
    %dma_wait3A_1106 = arith.constant 0 : i32
    %dma_wait3A_1107 = tpu.memref_slice %arg0[%dma_wait3A_1105, %dma_wait3A_1106] : memref<16384x128xf32, #tpu.memory_space<any>> -> memref<512x128xf32, #tpu.memory_space<any>>
    tpu.wait_dma2 semaphore(%arg10 : memref<!tpu.dma_semaphore, #tpu.memory_space<semaphore_mem>>) src(%dma_wait3A_1107 : memref<512x128xf32, #tpu.memory_space<any>>) dst(%dma_wait3A_1104 : memref<512x128xf32, #tpu.memory_space<vmem>>)
    %get3A_1108 = arith.constant 7 : index
    %get3A_1109 = arith.constant 0 : index
    %get3A_1110 = arith.constant 0 : index
    %get3A_1111 = vector.load %arg2[%get3A_1108, %get3A_1109, %get3A_1110] : memref<16x512x128xf32, #tpu.memory_space<vmem>>, vector<1x512x128xf32>
    %get3A_1112 = vector.shape_cast %get3A_1111 : vector<1x512x128xf32> to vector<512x128xf32>
    %reshape3A_1113 = vector.shape_cast %get3A_1112 : vector<512x128xf32> to vector<64x8x128xf32>
    %slice3A_1114 = vector.extract_strided_slice %reshape3A_1113 {offsets = [0, 0, 0], sizes = [32, 8, 128], strides = [1, 1, 1]} : vector<64x8x128xf32> to vector<32x8x128xf32>
    %slice3A_1115 = vector.extract_strided_slice %reshape3A_1113 {offsets = [32, 0, 0], sizes = [32, 8, 128], strides = [1, 1, 1]} : vector<64x8x128xf32> to vector<32x8x128xf32>
    %add3A_1116 = arith.addf %slice3A_1114, %slice3A_1115 : vector<32x8x128xf32>
    %slice3A_1117 = vector.extract_strided_slice %add3A_1116 {offsets = [0, 0, 0], sizes = [16, 8, 128], strides = [1, 1, 1]} : vector<32x8x128xf32> to vector<16x8x128xf32>
    %slice3A_1118 = vector.extract_strided_slice %add3A_1116 {offsets = [16, 0, 0], sizes = [16, 8, 128], strides = [1, 1, 1]} : vector<32x8x128xf32> to vector<16x8x128xf32>
    %add3A_1119 = arith.addf %slice3A_1117, %slice3A_1118 : vector<16x8x128xf32>
    %slice3A_1120 = vector.extract_strided_slice %add3A_1119 {offsets = [0, 0, 0], sizes = [8, 8, 128], strides = [1, 1, 1]} : vector<16x8x128xf32> to vector<8x8x128xf32>
    %slice3A_1121 = vector.extract_strided_slice %add3A_1119 {offsets = [8, 0, 0], sizes = [8, 8, 128], strides = [1, 1, 1]} : vector<16x8x128xf32> to vector<8x8x128xf32>
    %add3A_1122 = arith.addf %slice3A_1120, %slice3A_1121 : vector<8x8x128xf32>
    %slice3A_1123 = vector.extract_strided_slice %add3A_1122 {offsets = [0, 0, 0], sizes = [4, 8, 128], strides = [1, 1, 1]} : vector<8x8x128xf32> to vector<4x8x128xf32>
    %slice3A_1124 = vector.extract_strided_slice %add3A_1122 {offsets = [4, 0, 0], sizes = [4, 8, 128], strides = [1, 1, 1]} : vector<8x8x128xf32> to vector<4x8x128xf32>
    %add3A_1125 = arith.addf %slice3A_1123, %slice3A_1124 : vector<4x8x128xf32>
    %slice3A_1126 = vector.extract_strided_slice %add3A_1125 {offsets = [0, 0, 0], sizes = [2, 8, 128], strides = [1, 1, 1]} : vector<4x8x128xf32> to vector<2x8x128xf32>
    %slice3A_1127 = vector.extract_strided_slice %add3A_1125 {offsets = [2, 0, 0], sizes = [2, 8, 128], strides = [1, 1, 1]} : vector<4x8x128xf32> to vector<2x8x128xf32>
    %add3A_1128 = arith.addf %slice3A_1126, %slice3A_1127 : vector<2x8x128xf32>
    %slice3A_1129 = vector.extract_strided_slice %add3A_1128 {offsets = [0, 0, 0], sizes = [1, 8, 128], strides = [1, 1, 1]} : vector<2x8x128xf32> to vector<1x8x128xf32>
    %slice3A_1130 = vector.extract_strided_slice %add3A_1128 {offsets = [1, 0, 0], sizes = [1, 8, 128], strides = [1, 1, 1]} : vector<2x8x128xf32> to vector<1x8x128xf32>
    %add3A_1131 = arith.addf %slice3A_1129, %slice3A_1130 : vector<1x8x128xf32>
    %squeeze3A_1132 = vector.shape_cast %add3A_1131 : vector<1x8x128xf32> to vector<8x128xf32>
    %reduce_sum3A_1133 = arith.constant dense<0.000000e+00> : vector<128xf32>
    %reduce_sum3A_1134 = vector.multi_reduction <add>, %squeeze3A_1132, %reduce_sum3A_1133 [0] : vector<8x128xf32> to vector<128xf32>
    %broadcast_in_dim3A_1135 = vector.shape_cast %reduce_sum3A_1134 : vector<128xf32> to vector<1x128xf32>
    %add3A_1136 = arith.addf %add3A_1099, %broadcast_in_dim3A_1135 : vector<1x128xf32>
    %dma_wait3A_1137 = arith.constant 8 : i32
    %dma_wait3A_1138 = arith.constant 0 : i32
    %dma_wait3A_1139 = arith.constant 0 : i32
    %dma_wait3A_1140 = tpu.memref_slice %arg2[%dma_wait3A_1137, %dma_wait3A_1138, %dma_wait3A_1139] : memref<16x512x128xf32, #tpu.memory_space<vmem>> -> memref<1x512x128xf32, #tpu.memory_space<vmem>>
    %dma_wait3A_1141 = tpu.memref_squeeze %dma_wait3A_1140 : memref<1x512x128xf32, #tpu.memory_space<vmem>> -> memref<512x128xf32, #tpu.memory_space<vmem>>
    %dma_wait3A_1142 = arith.constant 12288 : i32
    %dma_wait3A_1143 = arith.constant 0 : i32
    %dma_wait3A_1144 = tpu.memref_slice %arg0[%dma_wait3A_1142, %dma_wait3A_1143] : memref<16384x128xf32, #tpu.memory_space<any>> -> memref<512x128xf32, #tpu.memory_space<any>>
    tpu.wait_dma2 semaphore(%arg11 : memref<!tpu.dma_semaphore, #tpu.memory_space<semaphore_mem>>) src(%dma_wait3A_1144 : memref<512x128xf32, #tpu.memory_space<any>>) dst(%dma_wait3A_1141 : memref<512x128xf32, #tpu.memory_space<vmem>>)
    %get3A_1145 = arith.constant 8 : index
    %get3A_1146 = arith.constant 0 : index
    %get3A_1147 = arith.constant 0 : index
    %get3A_1148 = vector.load %arg2[%get3A_1145, %get3A_1146, %get3A_1147] : memref<16x512x128xf32, #tpu.memory_space<vmem>>, vector<1x512x128xf32>
    %get3A_1149 = vector.shape_cast %get3A_1148 : vector<1x512x128xf32> to vector<512x128xf32>
    %reshape3A_1150 = vector.shape_cast %get3A_1149 : vector<512x128xf32> to vector<64x8x128xf32>
    %slice3A_1151 = vector.extract_strided_slice %reshape3A_1150 {offsets = [0, 0, 0], sizes = [32, 8, 128], strides = [1, 1, 1]} : vector<64x8x128xf32> to vector<32x8x128xf32>
    %slice3A_1152 = vector.extract_strided_slice %reshape3A_1150 {offsets = [32, 0, 0], sizes = [32, 8, 128], strides = [1, 1, 1]} : vector<64x8x128xf32> to vector<32x8x128xf32>
    %add3A_1153 = arith.addf %slice3A_1151, %slice3A_1152 : vector<32x8x128xf32>
    %slice3A_1154 = vector.extract_strided_slice %add3A_1153 {offsets = [0, 0, 0], sizes = [16, 8, 128], strides = [1, 1, 1]} : vector<32x8x128xf32> to vector<16x8x128xf32>
    %slice3A_1155 = vector.extract_strided_slice %add3A_1153 {offsets = [16, 0, 0], sizes = [16, 8, 128], strides = [1, 1, 1]} : vector<32x8x128xf32> to vector<16x8x128xf32>
    %add3A_1156 = arith.addf %slice3A_1154, %slice3A_1155 : vector<16x8x128xf32>
    %slice3A_1157 = vector.extract_strided_slice %add3A_1156 {offsets = [0, 0, 0], sizes = [8, 8, 128], strides = [1, 1, 1]} : vector<16x8x128xf32> to vector<8x8x128xf32>
    %slice3A_1158 = vector.extract_strided_slice %add3A_1156 {offsets = [8, 0, 0], sizes = [8, 8, 128], strides = [1, 1, 1]} : vector<16x8x128xf32> to vector<8x8x128xf32>
    %add3A_1159 = arith.addf %slice3A_1157, %slice3A_1158 : vector<8x8x128xf32>
    %slice3A_1160 = vector.extract_strided_slice %add3A_1159 {offsets = [0, 0, 0], sizes = [4, 8, 128], strides = [1, 1, 1]} : vector<8x8x128xf32> to vector<4x8x128xf32>
    %slice3A_1161 = vector.extract_strided_slice %add3A_1159 {offsets = [4, 0, 0], sizes = [4, 8, 128], strides = [1, 1, 1]} : vector<8x8x128xf32> to vector<4x8x128xf32>
    %add3A_1162 = arith.addf %slice3A_1160, %slice3A_1161 : vector<4x8x128xf32>
    %slice3A_1163 = vector.extract_strided_slice %add3A_1162 {offsets = [0, 0, 0], sizes = [2, 8, 128], strides = [1, 1, 1]} : vector<4x8x128xf32> to vector<2x8x128xf32>
    %slice3A_1164 = vector.extract_strided_slice %add3A_1162 {offsets = [2, 0, 0], sizes = [2, 8, 128], strides = [1, 1, 1]} : vector<4x8x128xf32> to vector<2x8x128xf32>
    %add3A_1165 = arith.addf %slice3A_1163, %slice3A_1164 : vector<2x8x128xf32>
    %slice3A_1166 = vector.extract_strided_slice %add3A_1165 {offsets = [0, 0, 0], sizes = [1, 8, 128], strides = [1, 1, 1]} : vector<2x8x128xf32> to vector<1x8x128xf32>
    %slice3A_1167 = vector.extract_strided_slice %add3A_1165 {offsets = [1, 0, 0], sizes = [1, 8, 128], strides = [1, 1, 1]} : vector<2x8x128xf32> to vector<1x8x128xf32>
    %add3A_1168 = arith.addf %slice3A_1166, %slice3A_1167 : vector<1x8x128xf32>
    %squeeze3A_1169 = vector.shape_cast %add3A_1168 : vector<1x8x128xf32> to vector<8x128xf32>
    %reduce_sum3A_1170 = arith.constant dense<0.000000e+00> : vector<128xf32>
    %reduce_sum3A_1171 = vector.multi_reduction <add>, %squeeze3A_1169, %reduce_sum3A_1170 [0] : vector<8x128xf32> to vector<128xf32>
    %broadcast_in_dim3A_1172 = vector.shape_cast %reduce_sum3A_1171 : vector<128xf32> to vector<1x128xf32>
    %add3A_1173 = arith.addf %add3A_1136, %broadcast_in_dim3A_1172 : vector<1x128xf32>
    %dma_wait3A_1174 = arith.constant 9 : i32
    %dma_wait3A_1175 = arith.constant 0 : i32
    %dma_wait3A_1176 = arith.constant 0 : i32
    %dma_wait3A_1177 = tpu.memref_slice %arg2[%dma_wait3A_1174, %dma_wait3A_1175, %dma_wait3A_1176] : memref<16x512x128xf32, #tpu.memory_space<vmem>> -> memref<1x512x128xf32, #tpu.memory_space<vmem>>
    %dma_wait3A_1178 = tpu.memref_squeeze %dma_wait3A_1177 : memref<1x512x128xf32, #tpu.memory_space<vmem>> -> memref<512x128xf32, #tpu.memory_space<vmem>>
    %dma_wait3A_1179 = arith.constant 12800 : i32
    %dma_wait3A_1180 = arith.constant 0 : i32
    %dma_wait3A_1181 = tpu.memref_slice %arg0[%dma_wait3A_1179, %dma_wait3A_1180] : memref<16384x128xf32, #tpu.memory_space<any>> -> memref<512x128xf32, #tpu.memory_space<any>>
    tpu.wait_dma2 semaphore(%arg12 : memref<!tpu.dma_semaphore, #tpu.memory_space<semaphore_mem>>) src(%dma_wait3A_1181 : memref<512x128xf32, #tpu.memory_space<any>>) dst(%dma_wait3A_1178 : memref<512x128xf32, #tpu.memory_space<vmem>>)
    %get3A_1182 = arith.constant 9 : index
    %get3A_1183 = arith.constant 0 : index
    %get3A_1184 = arith.constant 0 : index
    %get3A_1185 = vector.load %arg2[%get3A_1182, %get3A_1183, %get3A_1184] : memref<16x512x128xf32, #tpu.memory_space<vmem>>, vector<1x512x128xf32>
    %get3A_1186 = vector.shape_cast %get3A_1185 : vector<1x512x128xf32> to vector<512x128xf32>
    %reshape3A_1187 = vector.shape_cast %get3A_1186 : vector<512x128xf32> to vector<64x8x128xf32>
    %slice3A_1188 = vector.extract_strided_slice %reshape3A_1187 {offsets = [0, 0, 0], sizes = [32, 8, 128], strides = [1, 1, 1]} : vector<64x8x128xf32> to vector<32x8x128xf32>
    %slice3A_1189 = vector.extract_strided_slice %reshape3A_1187 {offsets = [32, 0, 0], sizes = [32, 8, 128], strides = [1, 1, 1]} : vector<64x8x128xf32> to vector<32x8x128xf32>
    %add3A_1190 = arith.addf %slice3A_1188, %slice3A_1189 : vector<32x8x128xf32>
    %slice3A_1191 = vector.extract_strided_slice %add3A_1190 {offsets = [0, 0, 0], sizes = [16, 8, 128], strides = [1, 1, 1]} : vector<32x8x128xf32> to vector<16x8x128xf32>
    %slice3A_1192 = vector.extract_strided_slice %add3A_1190 {offsets = [16, 0, 0], sizes = [16, 8, 128], strides = [1, 1, 1]} : vector<32x8x128xf32> to vector<16x8x128xf32>
    %add3A_1193 = arith.addf %slice3A_1191, %slice3A_1192 : vector<16x8x128xf32>
    %slice3A_1194 = vector.extract_strided_slice %add3A_1193 {offsets = [0, 0, 0], sizes = [8, 8, 128], strides = [1, 1, 1]} : vector<16x8x128xf32> to vector<8x8x128xf32>
    %slice3A_1195 = vector.extract_strided_slice %add3A_1193 {offsets = [8, 0, 0], sizes = [8, 8, 128], strides = [1, 1, 1]} : vector<16x8x128xf32> to vector<8x8x128xf32>
    %add3A_1196 = arith.addf %slice3A_1194, %slice3A_1195 : vector<8x8x128xf32>
    %slice3A_1197 = vector.extract_strided_slice %add3A_1196 {offsets = [0, 0, 0], sizes = [4, 8, 128], strides = [1, 1, 1]} : vector<8x8x128xf32> to vector<4x8x128xf32>
    %slice3A_1198 = vector.extract_strided_slice %add3A_1196 {offsets = [4, 0, 0], sizes = [4, 8, 128], strides = [1, 1, 1]} : vector<8x8x128xf32> to vector<4x8x128xf32>
    %add3A_1199 = arith.addf %slice3A_1197, %slice3A_1198 : vector<4x8x128xf32>
    %slice3A_1200 = vector.extract_strided_slice %add3A_1199 {offsets = [0, 0, 0], sizes = [2, 8, 128], strides = [1, 1, 1]} : vector<4x8x128xf32> to vector<2x8x128xf32>
    %slice3A_1201 = vector.extract_strided_slice %add3A_1199 {offsets = [2, 0, 0], sizes = [2, 8, 128], strides = [1, 1, 1]} : vector<4x8x128xf32> to vector<2x8x128xf32>
    %add3A_1202 = arith.addf %slice3A_1200, %slice3A_1201 : vector<2x8x128xf32>
    %slice3A_1203 = vector.extract_strided_slice %add3A_1202 {offsets = [0, 0, 0], sizes = [1, 8, 128], strides = [1, 1, 1]} : vector<2x8x128xf32> to vector<1x8x128xf32>
    %slice3A_1204 = vector.extract_strided_slice %add3A_1202 {offsets = [1, 0, 0], sizes = [1, 8, 128], strides = [1, 1, 1]} : vector<2x8x128xf32> to vector<1x8x128xf32>
    %add3A_1205 = arith.addf %slice3A_1203, %slice3A_1204 : vector<1x8x128xf32>
    %squeeze3A_1206 = vector.shape_cast %add3A_1205 : vector<1x8x128xf32> to vector<8x128xf32>
    %reduce_sum3A_1207 = arith.constant dense<0.000000e+00> : vector<128xf32>
    %reduce_sum3A_1208 = vector.multi_reduction <add>, %squeeze3A_1206, %reduce_sum3A_1207 [0] : vector<8x128xf32> to vector<128xf32>
    %broadcast_in_dim3A_1209 = vector.shape_cast %reduce_sum3A_1208 : vector<128xf32> to vector<1x128xf32>
    %add3A_1210 = arith.addf %add3A_1173, %broadcast_in_dim3A_1209 : vector<1x128xf32>
    %dma_wait3A_1211 = arith.constant 10 : i32
    %dma_wait3A_1212 = arith.constant 0 : i32
    %dma_wait3A_1213 = arith.constant 0 : i32
    %dma_wait3A_1214 = tpu.memref_slice %arg2[%dma_wait3A_1211, %dma_wait3A_1212, %dma_wait3A_1213] : memref<16x512x128xf32, #tpu.memory_space<vmem>> -> memref<1x512x128xf32, #tpu.memory_space<vmem>>
    %dma_wait3A_1215 = tpu.memref_squeeze %dma_wait3A_1214 : memref<1x512x128xf32, #tpu.memory_space<vmem>> -> memref<512x128xf32, #tpu.memory_space<vmem>>
    %dma_wait3A_1216 = arith.constant 13312 : i32
    %dma_wait3A_1217 = arith.constant 0 : i32
    %dma_wait3A_1218 = tpu.memref_slice %arg0[%dma_wait3A_1216, %dma_wait3A_1217] : memref<16384x128xf32, #tpu.memory_space<any>> -> memref<512x128xf32, #tpu.memory_space<any>>
    tpu.wait_dma2 semaphore(%arg13 : memref<!tpu.dma_semaphore, #tpu.memory_space<semaphore_mem>>) src(%dma_wait3A_1218 : memref<512x128xf32, #tpu.memory_space<any>>) dst(%dma_wait3A_1215 : memref<512x128xf32, #tpu.memory_space<vmem>>)
    %get3A_1219 = arith.constant 10 : index
    %get3A_1220 = arith.constant 0 : index
    %get3A_1221 = arith.constant 0 : index
    %get3A_1222 = vector.load %arg2[%get3A_1219, %get3A_1220, %get3A_1221] : memref<16x512x128xf32, #tpu.memory_space<vmem>>, vector<1x512x128xf32>
    %get3A_1223 = vector.shape_cast %get3A_1222 : vector<1x512x128xf32> to vector<512x128xf32>
    %reshape3A_1224 = vector.shape_cast %get3A_1223 : vector<512x128xf32> to vector<64x8x128xf32>
    %slice3A_1225 = vector.extract_strided_slice %reshape3A_1224 {offsets = [0, 0, 0], sizes = [32, 8, 128], strides = [1, 1, 1]} : vector<64x8x128xf32> to vector<32x8x128xf32>
    %slice3A_1226 = vector.extract_strided_slice %reshape3A_1224 {offsets = [32, 0, 0], sizes = [32, 8, 128], strides = [1, 1, 1]} : vector<64x8x128xf32> to vector<32x8x128xf32>
    %add3A_1227 = arith.addf %slice3A_1225, %slice3A_1226 : vector<32x8x128xf32>
    %slice3A_1228 = vector.extract_strided_slice %add3A_1227 {offsets = [0, 0, 0], sizes = [16, 8, 128], strides = [1, 1, 1]} : vector<32x8x128xf32> to vector<16x8x128xf32>
    %slice3A_1229 = vector.extract_strided_slice %add3A_1227 {offsets = [16, 0, 0], sizes = [16, 8, 128], strides = [1, 1, 1]} : vector<32x8x128xf32> to vector<16x8x128xf32>
    %add3A_1230 = arith.addf %slice3A_1228, %slice3A_1229 : vector<16x8x128xf32>
    %slice3A_1231 = vector.extract_strided_slice %add3A_1230 {offsets = [0, 0, 0], sizes = [8, 8, 128], strides = [1, 1, 1]} : vector<16x8x128xf32> to vector<8x8x128xf32>
    %slice3A_1232 = vector.extract_strided_slice %add3A_1230 {offsets = [8, 0, 0], sizes = [8, 8, 128], strides = [1, 1, 1]} : vector<16x8x128xf32> to vector<8x8x128xf32>
    %add3A_1233 = arith.addf %slice3A_1231, %slice3A_1232 : vector<8x8x128xf32>
    %slice3A_1234 = vector.extract_strided_slice %add3A_1233 {offsets = [0, 0, 0], sizes = [4, 8, 128], strides = [1, 1, 1]} : vector<8x8x128xf32> to vector<4x8x128xf32>
    %slice3A_1235 = vector.extract_strided_slice %add3A_1233 {offsets = [4, 0, 0], sizes = [4, 8, 128], strides = [1, 1, 1]} : vector<8x8x128xf32> to vector<4x8x128xf32>
    %add3A_1236 = arith.addf %slice3A_1234, %slice3A_1235 : vector<4x8x128xf32>
    %slice3A_1237 = vector.extract_strided_slice %add3A_1236 {offsets = [0, 0, 0], sizes = [2, 8, 128], strides = [1, 1, 1]} : vector<4x8x128xf32> to vector<2x8x128xf32>
    %slice3A_1238 = vector.extract_strided_slice %add3A_1236 {offsets = [2, 0, 0], sizes = [2, 8, 128], strides = [1, 1, 1]} : vector<4x8x128xf32> to vector<2x8x128xf32>
    %add3A_1239 = arith.addf %slice3A_1237, %slice3A_1238 : vector<2x8x128xf32>
    %slice3A_1240 = vector.extract_strided_slice %add3A_1239 {offsets = [0, 0, 0], sizes = [1, 8, 128], strides = [1, 1, 1]} : vector<2x8x128xf32> to vector<1x8x128xf32>
    %slice3A_1241 = vector.extract_strided_slice %add3A_1239 {offsets = [1, 0, 0], sizes = [1, 8, 128], strides = [1, 1, 1]} : vector<2x8x128xf32> to vector<1x8x128xf32>
    %add3A_1242 = arith.addf %slice3A_1240, %slice3A_1241 : vector<1x8x128xf32>
    %squeeze3A_1243 = vector.shape_cast %add3A_1242 : vector<1x8x128xf32> to vector<8x128xf32>
    %reduce_sum3A_1244 = arith.constant dense<0.000000e+00> : vector<128xf32>
    %reduce_sum3A_1245 = vector.multi_reduction <add>, %squeeze3A_1243, %reduce_sum3A_1244 [0] : vector<8x128xf32> to vector<128xf32>
    %broadcast_in_dim3A_1246 = vector.shape_cast %reduce_sum3A_1245 : vector<128xf32> to vector<1x128xf32>
    %add3A_1247 = arith.addf %add3A_1210, %broadcast_in_dim3A_1246 : vector<1x128xf32>
    %dma_wait3A_1248 = arith.constant 11 : i32
    %dma_wait3A_1249 = arith.constant 0 : i32
    %dma_wait3A_1250 = arith.constant 0 : i32
    %dma_wait3A_1251 = tpu.memref_slice %arg2[%dma_wait3A_1248, %dma_wait3A_1249, %dma_wait3A_1250] : memref<16x512x128xf32, #tpu.memory_space<vmem>> -> memref<1x512x128xf32, #tpu.memory_space<vmem>>
    %dma_wait3A_1252 = tpu.memref_squeeze %dma_wait3A_1251 : memref<1x512x128xf32, #tpu.memory_space<vmem>> -> memref<512x128xf32, #tpu.memory_space<vmem>>
    %dma_wait3A_1253 = arith.constant 13824 : i32
    %dma_wait3A_1254 = arith.constant 0 : i32
    %dma_wait3A_1255 = tpu.memref_slice %arg0[%dma_wait3A_1253, %dma_wait3A_1254] : memref<16384x128xf32, #tpu.memory_space<any>> -> memref<512x128xf32, #tpu.memory_space<any>>
    tpu.wait_dma2 semaphore(%arg14 : memref<!tpu.dma_semaphore, #tpu.memory_space<semaphore_mem>>) src(%dma_wait3A_1255 : memref<512x128xf32, #tpu.memory_space<any>>) dst(%dma_wait3A_1252 : memref<512x128xf32, #tpu.memory_space<vmem>>)
    %get3A_1256 = arith.constant 11 : index
    %get3A_1257 = arith.constant 0 : index
    %get3A_1258 = arith.constant 0 : index
    %get3A_1259 = vector.load %arg2[%get3A_1256, %get3A_1257, %get3A_1258] : memref<16x512x128xf32, #tpu.memory_space<vmem>>, vector<1x512x128xf32>
    %get3A_1260 = vector.shape_cast %get3A_1259 : vector<1x512x128xf32> to vector<512x128xf32>
    %reshape3A_1261 = vector.shape_cast %get3A_1260 : vector<512x128xf32> to vector<64x8x128xf32>
    %slice3A_1262 = vector.extract_strided_slice %reshape3A_1261 {offsets = [0, 0, 0], sizes = [32, 8, 128], strides = [1, 1, 1]} : vector<64x8x128xf32> to vector<32x8x128xf32>
    %slice3A_1263 = vector.extract_strided_slice %reshape3A_1261 {offsets = [32, 0, 0], sizes = [32, 8, 128], strides = [1, 1, 1]} : vector<64x8x128xf32> to vector<32x8x128xf32>
    %add3A_1264 = arith.addf %slice3A_1262, %slice3A_1263 : vector<32x8x128xf32>
    %slice3A_1265 = vector.extract_strided_slice %add3A_1264 {offsets = [0, 0, 0], sizes = [16, 8, 128], strides = [1, 1, 1]} : vector<32x8x128xf32> to vector<16x8x128xf32>
    %slice3A_1266 = vector.extract_strided_slice %add3A_1264 {offsets = [16, 0, 0], sizes = [16, 8, 128], strides = [1, 1, 1]} : vector<32x8x128xf32> to vector<16x8x128xf32>
    %add3A_1267 = arith.addf %slice3A_1265, %slice3A_1266 : vector<16x8x128xf32>
    %slice3A_1268 = vector.extract_strided_slice %add3A_1267 {offsets = [0, 0, 0], sizes = [8, 8, 128], strides = [1, 1, 1]} : vector<16x8x128xf32> to vector<8x8x128xf32>
    %slice3A_1269 = vector.extract_strided_slice %add3A_1267 {offsets = [8, 0, 0], sizes = [8, 8, 128], strides = [1, 1, 1]} : vector<16x8x128xf32> to vector<8x8x128xf32>
    %add3A_1270 = arith.addf %slice3A_1268, %slice3A_1269 : vector<8x8x128xf32>
    %slice3A_1271 = vector.extract_strided_slice %add3A_1270 {offsets = [0, 0, 0], sizes = [4, 8, 128], strides = [1, 1, 1]} : vector<8x8x128xf32> to vector<4x8x128xf32>
    %slice3A_1272 = vector.extract_strided_slice %add3A_1270 {offsets = [4, 0, 0], sizes = [4, 8, 128], strides = [1, 1, 1]} : vector<8x8x128xf32> to vector<4x8x128xf32>
    %add3A_1273 = arith.addf %slice3A_1271, %slice3A_1272 : vector<4x8x128xf32>
    %slice3A_1274 = vector.extract_strided_slice %add3A_1273 {offsets = [0, 0, 0], sizes = [2, 8, 128], strides = [1, 1, 1]} : vector<4x8x128xf32> to vector<2x8x128xf32>
    %slice3A_1275 = vector.extract_strided_slice %add3A_1273 {offsets = [2, 0, 0], sizes = [2, 8, 128], strides = [1, 1, 1]} : vector<4x8x128xf32> to vector<2x8x128xf32>
    %add3A_1276 = arith.addf %slice3A_1274, %slice3A_1275 : vector<2x8x128xf32>
    %slice3A_1277 = vector.extract_strided_slice %add3A_1276 {offsets = [0, 0, 0], sizes = [1, 8, 128], strides = [1, 1, 1]} : vector<2x8x128xf32> to vector<1x8x128xf32>
    %slice3A_1278 = vector.extract_strided_slice %add3A_1276 {offsets = [1, 0, 0], sizes = [1, 8, 128], strides = [1, 1, 1]} : vector<2x8x128xf32> to vector<1x8x128xf32>
    %add3A_1279 = arith.addf %slice3A_1277, %slice3A_1278 : vector<1x8x128xf32>
    %squeeze3A_1280 = vector.shape_cast %add3A_1279 : vector<1x8x128xf32> to vector<8x128xf32>
    %reduce_sum3A_1281 = arith.constant dense<0.000000e+00> : vector<128xf32>
    %reduce_sum3A_1282 = vector.multi_reduction <add>, %squeeze3A_1280, %reduce_sum3A_1281 [0] : vector<8x128xf32> to vector<128xf32>
    %broadcast_in_dim3A_1283 = vector.shape_cast %reduce_sum3A_1282 : vector<128xf32> to vector<1x128xf32>
    %add3A_1284 = arith.addf %add3A_1247, %broadcast_in_dim3A_1283 : vector<1x128xf32>
    %dma_wait3A_1285 = arith.constant 12 : i32
    %dma_wait3A_1286 = arith.constant 0 : i32
    %dma_wait3A_1287 = arith.constant 0 : i32
    %dma_wait3A_1288 = tpu.memref_slice %arg2[%dma_wait3A_1285, %dma_wait3A_1286, %dma_wait3A_1287] : memref<16x512x128xf32, #tpu.memory_space<vmem>> -> memref<1x512x128xf32, #tpu.memory_space<vmem>>
    %dma_wait3A_1289 = tpu.memref_squeeze %dma_wait3A_1288 : memref<1x512x128xf32, #tpu.memory_space<vmem>> -> memref<512x128xf32, #tpu.memory_space<vmem>>
    %dma_wait3A_1290 = arith.constant 14336 : i32
    %dma_wait3A_1291 = arith.constant 0 : i32
    %dma_wait3A_1292 = tpu.memref_slice %arg0[%dma_wait3A_1290, %dma_wait3A_1291] : memref<16384x128xf32, #tpu.memory_space<any>> -> memref<512x128xf32, #tpu.memory_space<any>>
    tpu.wait_dma2 semaphore(%arg15 : memref<!tpu.dma_semaphore, #tpu.memory_space<semaphore_mem>>) src(%dma_wait3A_1292 : memref<512x128xf32, #tpu.memory_space<any>>) dst(%dma_wait3A_1289 : memref<512x128xf32, #tpu.memory_space<vmem>>)
    %get3A_1293 = arith.constant 12 : index
    %get3A_1294 = arith.constant 0 : index
    %get3A_1295 = arith.constant 0 : index
    %get3A_1296 = vector.load %arg2[%get3A_1293, %get3A_1294, %get3A_1295] : memref<16x512x128xf32, #tpu.memory_space<vmem>>, vector<1x512x128xf32>
    %get3A_1297 = vector.shape_cast %get3A_1296 : vector<1x512x128xf32> to vector<512x128xf32>
    %reshape3A_1298 = vector.shape_cast %get3A_1297 : vector<512x128xf32> to vector<64x8x128xf32>
    %slice3A_1299 = vector.extract_strided_slice %reshape3A_1298 {offsets = [0, 0, 0], sizes = [32, 8, 128], strides = [1, 1, 1]} : vector<64x8x128xf32> to vector<32x8x128xf32>
    %slice3A_1300 = vector.extract_strided_slice %reshape3A_1298 {offsets = [32, 0, 0], sizes = [32, 8, 128], strides = [1, 1, 1]} : vector<64x8x128xf32> to vector<32x8x128xf32>
    %add3A_1301 = arith.addf %slice3A_1299, %slice3A_1300 : vector<32x8x128xf32>
    %slice3A_1302 = vector.extract_strided_slice %add3A_1301 {offsets = [0, 0, 0], sizes = [16, 8, 128], strides = [1, 1, 1]} : vector<32x8x128xf32> to vector<16x8x128xf32>
    %slice3A_1303 = vector.extract_strided_slice %add3A_1301 {offsets = [16, 0, 0], sizes = [16, 8, 128], strides = [1, 1, 1]} : vector<32x8x128xf32> to vector<16x8x128xf32>
    %add3A_1304 = arith.addf %slice3A_1302, %slice3A_1303 : vector<16x8x128xf32>
    %slice3A_1305 = vector.extract_strided_slice %add3A_1304 {offsets = [0, 0, 0], sizes = [8, 8, 128], strides = [1, 1, 1]} : vector<16x8x128xf32> to vector<8x8x128xf32>
    %slice3A_1306 = vector.extract_strided_slice %add3A_1304 {offsets = [8, 0, 0], sizes = [8, 8, 128], strides = [1, 1, 1]} : vector<16x8x128xf32> to vector<8x8x128xf32>
    %add3A_1307 = arith.addf %slice3A_1305, %slice3A_1306 : vector<8x8x128xf32>
    %slice3A_1308 = vector.extract_strided_slice %add3A_1307 {offsets = [0, 0, 0], sizes = [4, 8, 128], strides = [1, 1, 1]} : vector<8x8x128xf32> to vector<4x8x128xf32>
    %slice3A_1309 = vector.extract_strided_slice %add3A_1307 {offsets = [4, 0, 0], sizes = [4, 8, 128], strides = [1, 1, 1]} : vector<8x8x128xf32> to vector<4x8x128xf32>
    %add3A_1310 = arith.addf %slice3A_1308, %slice3A_1309 : vector<4x8x128xf32>
    %slice3A_1311 = vector.extract_strided_slice %add3A_1310 {offsets = [0, 0, 0], sizes = [2, 8, 128], strides = [1, 1, 1]} : vector<4x8x128xf32> to vector<2x8x128xf32>
    %slice3A_1312 = vector.extract_strided_slice %add3A_1310 {offsets = [2, 0, 0], sizes = [2, 8, 128], strides = [1, 1, 1]} : vector<4x8x128xf32> to vector<2x8x128xf32>
    %add3A_1313 = arith.addf %slice3A_1311, %slice3A_1312 : vector<2x8x128xf32>
    %slice3A_1314 = vector.extract_strided_slice %add3A_1313 {offsets = [0, 0, 0], sizes = [1, 8, 128], strides = [1, 1, 1]} : vector<2x8x128xf32> to vector<1x8x128xf32>
    %slice3A_1315 = vector.extract_strided_slice %add3A_1313 {offsets = [1, 0, 0], sizes = [1, 8, 128], strides = [1, 1, 1]} : vector<2x8x128xf32> to vector<1x8x128xf32>
    %add3A_1316 = arith.addf %slice3A_1314, %slice3A_1315 : vector<1x8x128xf32>
    %squeeze3A_1317 = vector.shape_cast %add3A_1316 : vector<1x8x128xf32> to vector<8x128xf32>
    %reduce_sum3A_1318 = arith.constant dense<0.000000e+00> : vector<128xf32>
    %reduce_sum3A_1319 = vector.multi_reduction <add>, %squeeze3A_1317, %reduce_sum3A_1318 [0] : vector<8x128xf32> to vector<128xf32>
    %broadcast_in_dim3A_1320 = vector.shape_cast %reduce_sum3A_1319 : vector<128xf32> to vector<1x128xf32>
    %add3A_1321 = arith.addf %add3A_1284, %broadcast_in_dim3A_1320 : vector<1x128xf32>
    %dma_wait3A_1322 = arith.constant 13 : i32
    %dma_wait3A_1323 = arith.constant 0 : i32
    %dma_wait3A_1324 = arith.constant 0 : i32
    %dma_wait3A_1325 = tpu.memref_slice %arg2[%dma_wait3A_1322, %dma_wait3A_1323, %dma_wait3A_1324] : memref<16x512x128xf32, #tpu.memory_space<vmem>> -> memref<1x512x128xf32, #tpu.memory_space<vmem>>
    %dma_wait3A_1326 = tpu.memref_squeeze %dma_wait3A_1325 : memref<1x512x128xf32, #tpu.memory_space<vmem>> -> memref<512x128xf32, #tpu.memory_space<vmem>>
    %dma_wait3A_1327 = arith.constant 14848 : i32
    %dma_wait3A_1328 = arith.constant 0 : i32
    %dma_wait3A_1329 = tpu.memref_slice %arg0[%dma_wait3A_1327, %dma_wait3A_1328] : memref<16384x128xf32, #tpu.memory_space<any>> -> memref<512x128xf32, #tpu.memory_space<any>>
    tpu.wait_dma2 semaphore(%arg16 : memref<!tpu.dma_semaphore, #tpu.memory_space<semaphore_mem>>) src(%dma_wait3A_1329 : memref<512x128xf32, #tpu.memory_space<any>>) dst(%dma_wait3A_1326 : memref<512x128xf32, #tpu.memory_space<vmem>>)
    %get3A_1330 = arith.constant 13 : index
    %get3A_1331 = arith.constant 0 : index
    %get3A_1332 = arith.constant 0 : index
    %get3A_1333 = vector.load %arg2[%get3A_1330, %get3A_1331, %get3A_1332] : memref<16x512x128xf32, #tpu.memory_space<vmem>>, vector<1x512x128xf32>
    %get3A_1334 = vector.shape_cast %get3A_1333 : vector<1x512x128xf32> to vector<512x128xf32>
    %reshape3A_1335 = vector.shape_cast %get3A_1334 : vector<512x128xf32> to vector<64x8x128xf32>
    %slice3A_1336 = vector.extract_strided_slice %reshape3A_1335 {offsets = [0, 0, 0], sizes = [32, 8, 128], strides = [1, 1, 1]} : vector<64x8x128xf32> to vector<32x8x128xf32>
    %slice3A_1337 = vector.extract_strided_slice %reshape3A_1335 {offsets = [32, 0, 0], sizes = [32, 8, 128], strides = [1, 1, 1]} : vector<64x8x128xf32> to vector<32x8x128xf32>
    %add3A_1338 = arith.addf %slice3A_1336, %slice3A_1337 : vector<32x8x128xf32>
    %slice3A_1339 = vector.extract_strided_slice %add3A_1338 {offsets = [0, 0, 0], sizes = [16, 8, 128], strides = [1, 1, 1]} : vector<32x8x128xf32> to vector<16x8x128xf32>
    %slice3A_1340 = vector.extract_strided_slice %add3A_1338 {offsets = [16, 0, 0], sizes = [16, 8, 128], strides = [1, 1, 1]} : vector<32x8x128xf32> to vector<16x8x128xf32>
    %add3A_1341 = arith.addf %slice3A_1339, %slice3A_1340 : vector<16x8x128xf32>
    %slice3A_1342 = vector.extract_strided_slice %add3A_1341 {offsets = [0, 0, 0], sizes = [8, 8, 128], strides = [1, 1, 1]} : vector<16x8x128xf32> to vector<8x8x128xf32>
    %slice3A_1343 = vector.extract_strided_slice %add3A_1341 {offsets = [8, 0, 0], sizes = [8, 8, 128], strides = [1, 1, 1]} : vector<16x8x128xf32> to vector<8x8x128xf32>
    %add3A_1344 = arith.addf %slice3A_1342, %slice3A_1343 : vector<8x8x128xf32>
    %slice3A_1345 = vector.extract_strided_slice %add3A_1344 {offsets = [0, 0, 0], sizes = [4, 8, 128], strides = [1, 1, 1]} : vector<8x8x128xf32> to vector<4x8x128xf32>
    %slice3A_1346 = vector.extract_strided_slice %add3A_1344 {offsets = [4, 0, 0], sizes = [4, 8, 128], strides = [1, 1, 1]} : vector<8x8x128xf32> to vector<4x8x128xf32>
    %add3A_1347 = arith.addf %slice3A_1345, %slice3A_1346 : vector<4x8x128xf32>
    %slice3A_1348 = vector.extract_strided_slice %add3A_1347 {offsets = [0, 0, 0], sizes = [2, 8, 128], strides = [1, 1, 1]} : vector<4x8x128xf32> to vector<2x8x128xf32>
    %slice3A_1349 = vector.extract_strided_slice %add3A_1347 {offsets = [2, 0, 0], sizes = [2, 8, 128], strides = [1, 1, 1]} : vector<4x8x128xf32> to vector<2x8x128xf32>
    %add3A_1350 = arith.addf %slice3A_1348, %slice3A_1349 : vector<2x8x128xf32>
    %slice3A_1351 = vector.extract_strided_slice %add3A_1350 {offsets = [0, 0, 0], sizes = [1, 8, 128], strides = [1, 1, 1]} : vector<2x8x128xf32> to vector<1x8x128xf32>
    %slice3A_1352 = vector.extract_strided_slice %add3A_1350 {offsets = [1, 0, 0], sizes = [1, 8, 128], strides = [1, 1, 1]} : vector<2x8x128xf32> to vector<1x8x128xf32>
    %add3A_1353 = arith.addf %slice3A_1351, %slice3A_1352 : vector<1x8x128xf32>
    %squeeze3A_1354 = vector.shape_cast %add3A_1353 : vector<1x8x128xf32> to vector<8x128xf32>
    %reduce_sum3A_1355 = arith.constant dense<0.000000e+00> : vector<128xf32>
    %reduce_sum3A_1356 = vector.multi_reduction <add>, %squeeze3A_1354, %reduce_sum3A_1355 [0] : vector<8x128xf32> to vector<128xf32>
    %broadcast_in_dim3A_1357 = vector.shape_cast %reduce_sum3A_1356 : vector<128xf32> to vector<1x128xf32>
    %add3A_1358 = arith.addf %add3A_1321, %broadcast_in_dim3A_1357 : vector<1x128xf32>
    %dma_wait3A_1359 = arith.constant 14 : i32
    %dma_wait3A_1360 = arith.constant 0 : i32
    %dma_wait3A_1361 = arith.constant 0 : i32
    %dma_wait3A_1362 = tpu.memref_slice %arg2[%dma_wait3A_1359, %dma_wait3A_1360, %dma_wait3A_1361] : memref<16x512x128xf32, #tpu.memory_space<vmem>> -> memref<1x512x128xf32, #tpu.memory_space<vmem>>
    %dma_wait3A_1363 = tpu.memref_squeeze %dma_wait3A_1362 : memref<1x512x128xf32, #tpu.memory_space<vmem>> -> memref<512x128xf32, #tpu.memory_space<vmem>>
    %dma_wait3A_1364 = arith.constant 15360 : i32
    %dma_wait3A_1365 = arith.constant 0 : i32
    %dma_wait3A_1366 = tpu.memref_slice %arg0[%dma_wait3A_1364, %dma_wait3A_1365] : memref<16384x128xf32, #tpu.memory_space<any>> -> memref<512x128xf32, #tpu.memory_space<any>>
    tpu.wait_dma2 semaphore(%arg17 : memref<!tpu.dma_semaphore, #tpu.memory_space<semaphore_mem>>) src(%dma_wait3A_1366 : memref<512x128xf32, #tpu.memory_space<any>>) dst(%dma_wait3A_1363 : memref<512x128xf32, #tpu.memory_space<vmem>>)
    %get3A_1367 = arith.constant 14 : index
    %get3A_1368 = arith.constant 0 : index
    %get3A_1369 = arith.constant 0 : index
    %get3A_1370 = vector.load %arg2[%get3A_1367, %get3A_1368, %get3A_1369] : memref<16x512x128xf32, #tpu.memory_space<vmem>>, vector<1x512x128xf32>
    %get3A_1371 = vector.shape_cast %get3A_1370 : vector<1x512x128xf32> to vector<512x128xf32>
    %reshape3A_1372 = vector.shape_cast %get3A_1371 : vector<512x128xf32> to vector<64x8x128xf32>
    %slice3A_1373 = vector.extract_strided_slice %reshape3A_1372 {offsets = [0, 0, 0], sizes = [32, 8, 128], strides = [1, 1, 1]} : vector<64x8x128xf32> to vector<32x8x128xf32>
    %slice3A_1374 = vector.extract_strided_slice %reshape3A_1372 {offsets = [32, 0, 0], sizes = [32, 8, 128], strides = [1, 1, 1]} : vector<64x8x128xf32> to vector<32x8x128xf32>
    %add3A_1375 = arith.addf %slice3A_1373, %slice3A_1374 : vector<32x8x128xf32>
    %slice3A_1376 = vector.extract_strided_slice %add3A_1375 {offsets = [0, 0, 0], sizes = [16, 8, 128], strides = [1, 1, 1]} : vector<32x8x128xf32> to vector<16x8x128xf32>
    %slice3A_1377 = vector.extract_strided_slice %add3A_1375 {offsets = [16, 0, 0], sizes = [16, 8, 128], strides = [1, 1, 1]} : vector<32x8x128xf32> to vector<16x8x128xf32>
    %add3A_1378 = arith.addf %slice3A_1376, %slice3A_1377 : vector<16x8x128xf32>
    %slice3A_1379 = vector.extract_strided_slice %add3A_1378 {offsets = [0, 0, 0], sizes = [8, 8, 128], strides = [1, 1, 1]} : vector<16x8x128xf32> to vector<8x8x128xf32>
    %slice3A_1380 = vector.extract_strided_slice %add3A_1378 {offsets = [8, 0, 0], sizes = [8, 8, 128], strides = [1, 1, 1]} : vector<16x8x128xf32> to vector<8x8x128xf32>
    %add3A_1381 = arith.addf %slice3A_1379, %slice3A_1380 : vector<8x8x128xf32>
    %slice3A_1382 = vector.extract_strided_slice %add3A_1381 {offsets = [0, 0, 0], sizes = [4, 8, 128], strides = [1, 1, 1]} : vector<8x8x128xf32> to vector<4x8x128xf32>
    %slice3A_1383 = vector.extract_strided_slice %add3A_1381 {offsets = [4, 0, 0], sizes = [4, 8, 128], strides = [1, 1, 1]} : vector<8x8x128xf32> to vector<4x8x128xf32>
    %add3A_1384 = arith.addf %slice3A_1382, %slice3A_1383 : vector<4x8x128xf32>
    %slice3A_1385 = vector.extract_strided_slice %add3A_1384 {offsets = [0, 0, 0], sizes = [2, 8, 128], strides = [1, 1, 1]} : vector<4x8x128xf32> to vector<2x8x128xf32>
    %slice3A_1386 = vector.extract_strided_slice %add3A_1384 {offsets = [2, 0, 0], sizes = [2, 8, 128], strides = [1, 1, 1]} : vector<4x8x128xf32> to vector<2x8x128xf32>
    %add3A_1387 = arith.addf %slice3A_1385, %slice3A_1386 : vector<2x8x128xf32>
    %slice3A_1388 = vector.extract_strided_slice %add3A_1387 {offsets = [0, 0, 0], sizes = [1, 8, 128], strides = [1, 1, 1]} : vector<2x8x128xf32> to vector<1x8x128xf32>
    %slice3A_1389 = vector.extract_strided_slice %add3A_1387 {offsets = [1, 0, 0], sizes = [1, 8, 128], strides = [1, 1, 1]} : vector<2x8x128xf32> to vector<1x8x128xf32>
    %add3A_1390 = arith.addf %slice3A_1388, %slice3A_1389 : vector<1x8x128xf32>
    %squeeze3A_1391 = vector.shape_cast %add3A_1390 : vector<1x8x128xf32> to vector<8x128xf32>
    %reduce_sum3A_1392 = arith.constant dense<0.000000e+00> : vector<128xf32>
    %reduce_sum3A_1393 = vector.multi_reduction <add>, %squeeze3A_1391, %reduce_sum3A_1392 [0] : vector<8x128xf32> to vector<128xf32>
    %broadcast_in_dim3A_1394 = vector.shape_cast %reduce_sum3A_1393 : vector<128xf32> to vector<1x128xf32>
    %add3A_1395 = arith.addf %add3A_1358, %broadcast_in_dim3A_1394 : vector<1x128xf32>
    %dma_wait3A_1396 = arith.constant 15 : i32
    %dma_wait3A_1397 = arith.constant 0 : i32
    %dma_wait3A_1398 = arith.constant 0 : i32
    %dma_wait3A_1399 = tpu.memref_slice %arg2[%dma_wait3A_1396, %dma_wait3A_1397, %dma_wait3A_1398] : memref<16x512x128xf32, #tpu.memory_space<vmem>> -> memref<1x512x128xf32, #tpu.memory_space<vmem>>
    %dma_wait3A_1400 = tpu.memref_squeeze %dma_wait3A_1399 : memref<1x512x128xf32, #tpu.memory_space<vmem>> -> memref<512x128xf32, #tpu.memory_space<vmem>>
    %dma_wait3A_1401 = arith.constant 15872 : i32
    %dma_wait3A_1402 = arith.constant 0 : i32
    %dma_wait3A_1403 = tpu.memref_slice %arg0[%dma_wait3A_1401, %dma_wait3A_1402] : memref<16384x128xf32, #tpu.memory_space<any>> -> memref<512x128xf32, #tpu.memory_space<any>>
    tpu.wait_dma2 semaphore(%arg18 : memref<!tpu.dma_semaphore, #tpu.memory_space<semaphore_mem>>) src(%dma_wait3A_1403 : memref<512x128xf32, #tpu.memory_space<any>>) dst(%dma_wait3A_1400 : memref<512x128xf32, #tpu.memory_space<vmem>>)
    %get3A_1404 = arith.constant 15 : index
    %get3A_1405 = arith.constant 0 : index
    %get3A_1406 = arith.constant 0 : index
    %get3A_1407 = vector.load %arg2[%get3A_1404, %get3A_1405, %get3A_1406] : memref<16x512x128xf32, #tpu.memory_space<vmem>>, vector<1x512x128xf32>
    %get3A_1408 = vector.shape_cast %get3A_1407 : vector<1x512x128xf32> to vector<512x128xf32>
    %reshape3A_1409 = vector.shape_cast %get3A_1408 : vector<512x128xf32> to vector<64x8x128xf32>
    %slice3A_1410 = vector.extract_strided_slice %reshape3A_1409 {offsets = [0, 0, 0], sizes = [32, 8, 128], strides = [1, 1, 1]} : vector<64x8x128xf32> to vector<32x8x128xf32>
    %slice3A_1411 = vector.extract_strided_slice %reshape3A_1409 {offsets = [32, 0, 0], sizes = [32, 8, 128], strides = [1, 1, 1]} : vector<64x8x128xf32> to vector<32x8x128xf32>
    %add3A_1412 = arith.addf %slice3A_1410, %slice3A_1411 : vector<32x8x128xf32>
    %slice3A_1413 = vector.extract_strided_slice %add3A_1412 {offsets = [0, 0, 0], sizes = [16, 8, 128], strides = [1, 1, 1]} : vector<32x8x128xf32> to vector<16x8x128xf32>
    %slice3A_1414 = vector.extract_strided_slice %add3A_1412 {offsets = [16, 0, 0], sizes = [16, 8, 128], strides = [1, 1, 1]} : vector<32x8x128xf32> to vector<16x8x128xf32>
    %add3A_1415 = arith.addf %slice3A_1413, %slice3A_1414 : vector<16x8x128xf32>
    %slice3A_1416 = vector.extract_strided_slice %add3A_1415 {offsets = [0, 0, 0], sizes = [8, 8, 128], strides = [1, 1, 1]} : vector<16x8x128xf32> to vector<8x8x128xf32>
    %slice3A_1417 = vector.extract_strided_slice %add3A_1415 {offsets = [8, 0, 0], sizes = [8, 8, 128], strides = [1, 1, 1]} : vector<16x8x128xf32> to vector<8x8x128xf32>
    %add3A_1418 = arith.addf %slice3A_1416, %slice3A_1417 : vector<8x8x128xf32>
    %slice3A_1419 = vector.extract_strided_slice %add3A_1418 {offsets = [0, 0, 0], sizes = [4, 8, 128], strides = [1, 1, 1]} : vector<8x8x128xf32> to vector<4x8x128xf32>
    %slice3A_1420 = vector.extract_strided_slice %add3A_1418 {offsets = [4, 0, 0], sizes = [4, 8, 128], strides = [1, 1, 1]} : vector<8x8x128xf32> to vector<4x8x128xf32>
    %add3A_1421 = arith.addf %slice3A_1419, %slice3A_1420 : vector<4x8x128xf32>
    %slice3A_1422 = vector.extract_strided_slice %add3A_1421 {offsets = [0, 0, 0], sizes = [2, 8, 128], strides = [1, 1, 1]} : vector<4x8x128xf32> to vector<2x8x128xf32>
    %slice3A_1423 = vector.extract_strided_slice %add3A_1421 {offsets = [2, 0, 0], sizes = [2, 8, 128], strides = [1, 1, 1]} : vector<4x8x128xf32> to vector<2x8x128xf32>
    %add3A_1424 = arith.addf %slice3A_1422, %slice3A_1423 : vector<2x8x128xf32>
    %slice3A_1425 = vector.extract_strided_slice %add3A_1424 {offsets = [0, 0, 0], sizes = [1, 8, 128], strides = [1, 1, 1]} : vector<2x8x128xf32> to vector<1x8x128xf32>
    %slice3A_1426 = vector.extract_strided_slice %add3A_1424 {offsets = [1, 0, 0], sizes = [1, 8, 128], strides = [1, 1, 1]} : vector<2x8x128xf32> to vector<1x8x128xf32>
    %add3A_1427 = arith.addf %slice3A_1425, %slice3A_1426 : vector<1x8x128xf32>
    %squeeze3A_1428 = vector.shape_cast %add3A_1427 : vector<1x8x128xf32> to vector<8x128xf32>
    %reduce_sum3A_1429 = arith.constant dense<0.000000e+00> : vector<128xf32>
    %reduce_sum3A_1430 = vector.multi_reduction <add>, %squeeze3A_1428, %reduce_sum3A_1429 [0] : vector<8x128xf32> to vector<128xf32>
    %broadcast_in_dim3A_1431 = vector.shape_cast %reduce_sum3A_1430 : vector<128xf32> to vector<1x128xf32>
    %add3A_1432 = arith.addf %add3A_1395, %broadcast_in_dim3A_1431 : vector<1x128xf32>
    %iota3A = tpu.iota {dimensions = array<i32: 1>} : vector<1x128xi32>
    %ge3A = arith.constant 0.000000e+00 : f32
    %ge3A_1433 = vector.broadcast %ge3A : f32 to vector<1x128xf32>
    %ge3A_1434 = arith.cmpf oge, %add3A_1432, %ge3A_1433 : vector<1x128xf32>
    %jit3A = arith.constant 128 : i32
    %broadcast_in_dim3A_1435 = vector.broadcast %jit3A : i32 to vector<1x128xi32>
    %select_n3A = arith.select %ge3A_1434, %iota3A, %broadcast_in_dim3A_1435 : vector<1x128xi1>, vector<1x128xi32>
    %reduce_min3A = vector.shape_cast %select_n3A : vector<1x128xi32> to vector<1x1x128xi32>
    %reduce_min3A_1436 = arith.constant dense<2147483647> : vector<1xi32>
    %reduce_min3A_1437 = vector.multi_reduction <minsi>, %reduce_min3A, %reduce_min3A_1436 [1, 2] : vector<1x1x128xi32> to vector<1xi32>
    %reduce_min3A_1438 = vector.shape_cast %reduce_min3A_1437 : vector<1xi32> to vector<1x1x1xi32>
    %reduce_min3A_1439 = vector.extract %reduce_min3A_1438[0, 0, 0] : i32 from vector<1x1x1xi32>
    %ge3A_1440 = arith.constant 128 : i32
    %ge3A_1441 = arith.cmpi sge, %reduce_min3A_1439, %ge3A_1440 : i32
    %jit3A_1442 = arith.constant 0 : i32
    %select_n3A_1443 = arith.select %ge3A_1441, %jit3A_1442, %reduce_min3A_1439 : i32
    %iota3A_1444 = tpu.iota {dimensions = array<i32: 1>} : vector<64x128xi32>
    %eq3A = vector.broadcast %select_n3A_1443 : i32 to vector<64x128xi32>
    %eq3A_1445 = arith.cmpi eq, %iota3A_1444, %eq3A : vector<64x128xi32>
    %jit3A_1446 = arith.constant 1.000000e+00 : f32
    %jit3A_1447 = arith.constant -1.000000e+00 : f32
    %broadcast_in_dim3A_1448 = vector.broadcast %jit3A_1446 : f32 to vector<64x128xf32>
    %broadcast_in_dim3A_1449 = vector.broadcast %jit3A_1447 : f32 to vector<64x128xf32>
    %select_n3A_1450 = arith.select %eq3A_1445, %broadcast_in_dim3A_1448, %broadcast_in_dim3A_1449 : vector<64x128xi1>, vector<64x128xf32>
    %swap3A = arith.constant 0 : index
    %swap3A_1451 = arith.constant 0 : index
    %swap3A_1452 = vector.load %arg1[%swap3A, %swap3A_1451] : memref<64x128xf32, #tpu.memory_space<vmem>>, vector<64x128xf32>
    tpu.vector_store %arg1[%swap3A, %swap3A_1451], %select_n3A_1450 {strides = array<i32>} : memref<64x128xf32, #tpu.memory_space<vmem>>, vector<64x128xf32>,
    return
  }
}

</mosaic_0001>

<sc_bundles>
// kernel: kernel.4.cloned.1.call-start
scs
__scs_entry_jumppad:
0x0: {  	(pc) =	sbr.rel $0x88, $3  }
0x1: {  	(tag) =	ssettag $0x0;
	lr =	simm.s32 $0x1  }
0x2: {  	[smem:$0x3FA0] =	sst lr;
	_ =	strace $0xD0000000  }
0x3: {  	_ = 	snop  }
0x4: {  	_ = 	snop  }
0x5: {  	_ = 	snop  }
0x6: {  	_ = 	snop  }
0x7: {  	_ = 	snop  }
__scs_overlays_trampoline_lowered:
0x8: {  	[smem:$0x3FAF] =	sst s0  }
0x9: {  	[smem:$0x3FB0] =	sst s1  }
0xa: {  	[smem:$0x3FB1] =	sst s2  }
0xb: {  	[smem:$0x3FB2] =	sst s3  }
0xc: {  	[smem:$0x3FB3] =	sst s4  }
0xd: {  	[smem:$0x3FB4] =	sst s5  }
0xe: {  	[smem:$0x3FB5] =	sst s6  }
0xf: {  	[smem:$0x3FB6] =	sst s7  }
0x10: {  	[smem:$0x3FB7] =	sst s8  }
0x11: {  	[smem:$0x3FB8] =	sst s9;
	s0 =	simm.s32 @!p0 $0x0  }
0x12: {  	s1 =	sld [smem:$0x3F9E];
	s0 =	simm.s32 @p0 $0x1  }
0x13: {  	[smem:$0x3FB9] =	sst s0;
	s0 =	simm.s32 @!p1 $0x0  }
0x14: {  	s2 =	sld [smem:$0x3F9D];
	s0 =	simm.s32 @p1 $0x1  }
0x15: {  	[smem:$0x3FBA] =	sst s0;
	s0 =	simm.s32 @!p2 $0x0  }
0x16: {  	s3 =	sld [smem:$0x3FDB];
	s0 =	simm.s32 @p2 $0x1  }
0x17: {  	s4 =	simm.s32 $0x1BF5;
	[smem:$0x3FBC] =	sst s0  }
0x18: {  	s0 =	sld [smem:$0x3F9F];
	_ =	swait.ge [sflag:s4], $0x0  }
0x19: {  	s7 =	sld [smem:$0x3FA0]  }
0x1a: {  	s8 =	sadd.s32 $0xFFFFE003, lr  }
0x1b: {  	s9 =	sadd.s32 $0xFFFFFEF7, lr;
	s5 =	simm.s32 $0xFFFFFFFF;
	p2 =	slt.u32 s8, $0xFFFFF086  }
0x1c: {  	p1 =	slt.u32 s9, $0xF7A;
	s5 =	simm.s32 @!p2 $0x0  }
0x1d: {  	s5 =	simm.s32 @p1 $0x1;
	p0 =	seq.s32 s7, s2  }
0x1e: {  	s7 =	smul.u32 @!p0 $0xF7A, s2;
	p2 =	seq.s32 @!p0 s5, $0x0  }
0x1f: {  	s9 =	smul.u32 $0xF7A, s1;
	s8 =	simm.s32 @!p0 $0x1BF5;
	p2 =	por !p2, p0  }
0x20: {  	[sflag:s8] =	ssyncset.s32 @!p0 $0xFFFFF086;
	s6 =	sadd.s32 @!p0 s3, s7;
	s7 =	simm.s32 @!p0 $0x108  }
0x21: {  	s3 =	sadd.s32 s3, s9;
	s6 =	sadd.s32 @!p0 $0x88, s6;
	s7 =	simm.s32 @p2 $0x1082  }
0x22: {  	[simem:s7], [sflag:s8] =	dma.local @!p0 [hbm:s6], $0xF7A  }
0x23: {  	s9 =	sor.u32 $0xD0000000, s2;
	s6 =	simm.s32 $0x108;
	_ =	swait.ge @!p0 [sflag:s8], $0x0  }
0x24: {  	s3 =	sadd.s32 $0x88, s3;
	s6 =	simm.s32 @!p1 $0x1082;
	[sflag:s4] =	ssyncset.s32 $0xFFFFF086  }
0x25: {  	[simem:s6], [sflag:s4] =	dma.local [hbm:s3], $0xF7A  }
0x26: {  	[smem:$0x3FA0] =	sst s1;
	(tag) =	ssettag s2;
	_ =	strace s9  }
0x27: {  	s1 =	sld [smem:$0x3FB0]  }
0x28: {  	s2 =	sld [smem:$0x3FB1]  }
0x29: {  	s4 =	sld [smem:$0x3FB3]  }
0x2a: {  	p0 =	seq.s32 s5, $0x0;
	s5 =	sld [smem:$0x3FB4]  }
0x2b: {  	s6 =	sld [smem:$0x3FB5]  }
0x2c: {  	s7 =	sld [smem:$0x3FB6]  }
0x2d: {  	s3 =	simm.s32 $0x108;
	s8 =	sld [smem:$0x3FB7]  }
0x2e: {  	s3 =	simm.s32 @!p0 $0x1082;
	s9 =	sld [smem:$0x3FB8]  }
0x2f: {  	lr =	sadd.s32 s0, s3;
	s0 =	sld [smem:$0x3FAF]  }
0x30: {  	s3 =	sld [smem:$0x3FB2]  }
0x31: {  	[smem:$0x3FBB] =	sst s10  }
0x32: {  	s10 =	sld [smem:$0x3FB9];
	_ =	sdelay $0x3  }
0x33: {  	p0 =	seq.s32 s10, $0x1;
	s10 =	sld [smem:$0x3FBB];
	_ =	sdelay $0x3  }
0x34: {  	[smem:$0x3FBB] =	sst s10  }
0x35: {  	s10 =	sld [smem:$0x3FBA];
	_ =	sdelay $0x3  }
0x36: {  	p1 =	seq.s32 s10, $0x1;
	s10 =	sld [smem:$0x3FBB];
	_ =	sdelay $0x3  }
0x37: {  	[smem:$0x3FBB] =	sst s10  }
0x38: {  	s10 =	sld [smem:$0x3FBC]  }
0x39: {  	_ = 	snop;
	(pc) =	sbr.ind lr, $3  }
0x3a: {  	_ = 	snop  }
0x3b: {  	_ = 	snop  }
0x3c: {  	p2 =	seq.s32 s10, $0x1;
	s10 =	sld [smem:$0x3FBB]  }
0x3d: {  	_ =	shalt  }
0x3e: {  	_ =	shalt  }
0x3f: {  	_ =	shalt  }
0x40: {  	_ =	shalt  }
0x41: {  	_ =	shalt  }
0x42: {  	_ =	shalt  }
0x43: {  	_ =	shalt  }
0x44: {  	_ =	shalt  }
0x45: {  	_ =	shalt  }
0x46: {  	_ =	shalt  }
0x47: {  	_ =	shalt  }
0x48: {  	_ =	shalt  }
0x49: {  	_ =	shalt  }
0x4a: {  	_ =	shalt  }
0x4b: {  	_ =	shalt  }
0x4c: {  	_ =	shalt  }
0x4d: {  	_ =	shalt  }
0x4e: {  	_ =	shalt  }
0x4f: {  	_ =	shalt  }
0x50: {  	_ =	shalt  }
0x51: {  	_ =	shalt  }
0x52: {  	_ =	shalt  }
0x53: {  	_ =	shalt  }
0x54: {  	_ =	shalt  }
0x55: {  	_ =	shalt  }
0x56: {  	_ =	shalt  }
0x57: {  	_ =	shalt  }
0x58: {  	_ =	shalt  }
0x59: {  	_ =	shalt  }
0x5a: {  	_ =	shalt  }
0x5b: {  	_ =	shalt  }
0x5c: {  	_ =	shalt  }
0x5d: {  	_ =	shalt  }
0x5e: {  	_ =	shalt  }
0x5f: {  	_ =	shalt  }
0x60: {  	_ =	shalt  }
0x61: {  	_ =	shalt  }
0x62: {  	_ =	shalt  }
0x63: {  	_ =	shalt  }
0x64: {  	_ =	shalt  }
0x65: {  	_ =	shalt  }
0x66: {  	_ =	shalt  }
0x67: {  	_ =	shalt  }
0x68: {  	_ =	shalt  }
0x69: {  	_ =	shalt  }
0x6a: {  	_ =	shalt  }
0x6b: {  	_ =	shalt  }
0x6c: {  	_ =	shalt  }
0x6d: {  	_ =	shalt  }
0x6e: {  	_ =	shalt  }
0x6f: {  	_ =	shalt  }
0x70: {  	_ =	shalt  }
0x71: {  	_ =	shalt  }
0x72: {  	_ =	shalt  }
0x73: {  	_ =	shalt  }
0x74: {  	_ =	shalt  }
0x75: {  	_ =	shalt  }
0x76: {  	_ =	shalt  }
0x77: {  	_ =	shalt  }
0x78: {  	_ =	shalt  }
0x79: {  	_ =	shalt  }
0x7a: {  	_ =	shalt  }
0x7b: {  	_ =	shalt  }
0x7c: {  	_ =	shalt  }
0x7d: {  	_ =	shalt  }
0x7e: {  	_ =	shalt  }
0x7f: {  	_ =	shalt  }
0x80: {  	_ =	shalt  }
0x81: {  	_ =	shalt  }
0x82: {  	_ =	shalt  }
0x83: {  	_ =	shalt  }
0x84: {  	_ =	shalt  }
0x85: {  	_ =	shalt  }
0x86: {  	_ =	shalt  }
0x87: {  	_ =	shalt  }
.Lfunc_end0:
.L_simem_size_0:
called_computation_lowered:
.L_overlay_start_0:
0x88: {  	s2 =	sld [smem:$0x3FD9]  }
0x89: {  	s3 =	sld [smem:$0x3FFE];
	_ =	sdelay $0x1  }
0x8a: {  	s1 =	srdreg.scid  }
0x8b: {  	s0 =	sand.u32 $0x1, s1  }
0x8c: {  	s17 =	sshll.u32 s0, $0xA;
	s2 =	sadd.s32 s3, s2  }
0x8d: {  	s2 =	sadd.s32 s2, s17  }
0x8e: {  	[smem:$0x3FC7] =	sst s2  }
0x8f: {  	_ = 	snop  }
0x90: {  	s2 =	sld [smem:$0x3FD0];
	(tm) =	ssettm $0x1  }
0x91: {  	s18 =	sld [smem:$0x3FFB];
	_ =	sdelay $0x3  }
0x92: {  	_ =	strace s18  }
0x93: {  	s3 =	sld [smem:$0x3FFC];
	_ =	sdelay $0x3  }
0x94: {  	_ =	strace s3  }
0x95: {  	s3 =	sld [smem:$0x3FFD];
	_ =	sdelay $0x3  }
0x96: {  	_ =	strace s3  }
0x97: {  	_ =	strace $0x8FFFFFFF  }
0x98: {  	s19 =	sld [smem:$0x3FDB];
	_ =	sdelay $0x1  }
0x99: {  	s4 =	simm.s32 $_scs_section_size  }
0x9a: {  	s5 =	simm.s32 $_size__tile_overlayer_lowered;
	s6 =	simm.s32 $_tile_overlayer_lowered  }
0x9b: {  	s22 =	simm.s32 $0x1BFF;
	s21 =	sshll.u32 s6, $0x1;
	s3 =	sadd.s32 s4, s19  }
0x9c: {  	s7 =	simm.s32 $0x0;
	s20 =	sshll.u32 s5, $0x1;
	s5 =	sadd.s32 s21, s3  }
0x9d: {  	[timem:s7], [sflag:s22] =	dma.local [hbm:s5], s20  }
0x9e: {  	_ =	swait.ge [sflag:s22], s20  }
0x9f: {  	s4 =	ssub.s32 $0x0, s20;
	[sflag:s22] =	ssyncset.done $0x0  }
0xa0: {  	[sflag:s22] =	ssyncadd.s32 s4;
	_ =	sdelay $0x1  }
0xa1: {  	s23 =	simm.s32 $0x1B8B  }
0xa2: {  	_ =	swait.ge [sflag:s23], $0x1  }
0xa3: {  	[sflag:s23] =	ssyncset.done $0x0  }
0xa4: {  	s25 =	simm.s32 $0x1B8E;
	s24 =	sld [smem:$0x3FFE];
	[sflag:s23] =	ssyncadd.s32 $0xFFFFFFFF  }
0xa5: {  	s26 =	simm.s32 $execute0_lowered;
	[smem:$0x3FD2] =	sst s25  }
0xa6: {  	s5 =	sshll.u32 s26, $0x1;
	_ =	strace $0x80000046;
	[dreg:$0x1] =	wrdreg $0xFFFFFFFF  }
0xa7: {  	s28 =	simm.s32 $_size_execute0_lowered;
	s3 =	sadd.s32 s3, s5;
	[dreg:$0x0] =	wrdreg $0x0  }
0xa8: {  	s5 =	sshll.u32 s28, $0x1;
	[dreg:$0x2] =	wrdreg s3  }
0xa9: {  	[dreg:$0x3] =	wrdreg s5  }
0xaa: {  	[dreg:$0x4] =	wrdreg $0xC0  }
0xab: {  	_ =	task [dreg:s7], $0x5FFFF  }
0xac: {  	[dreg:$0x1] =	wrdreg $0xFFFFFFFF  }
0xad: {  	[dreg:$0x0] =	wrdreg $0x60  }
0xae: {  	[dreg:$0x2] =	wrdreg s24  }
0xaf: {  	[dreg:$0x3] =	wrdreg s2  }
0xb0: {  	[dreg:$0x4] =	wrdreg $0x9  }
0xb1: {  	_ =	task.clear_ibuf [dreg:s7], $0x5FFFF;
	_ =	strace $0x90000046  }
0xb2: {  	s29 =	simm.s32 $0x9;
	_ =	strace $0x80000048  }
0xb3: {  	_ =	swait.ge [sflag:s29], $0x1  }
0xb4: {  	[sflag:s29] =	ssyncadd.s32 $0xFFFFFFFF  }
0xb5: {  	_ =	strace $0x90000048  }
0xb6: {  	_ =	sfence  }
0xb7: {  	s30 =	sld [smem:$0x0];
	_ =	sdelay $0x2  }
0xb8: {  	s31 =	sshll.u32 s1, $0xD;
	s1 =	sshrl.u32 s1, $0x2  }
0xb9: {  	s3 =	sand.u32 $0x4000, s31;
	s1 =	sadd.s32 s1, s30  }
0xba: {  	s0 =	sor.u32 s3, s0;
	s1 =	sshll.u32 s1, $0x11  }
0xbb: {  	s0 =	sor.u32 s1, s0  }
0xbc: {  	s0 =	sadd.s32 $0x8F2B, s0  }
0xbd: {  	[sflag:s0] =	ssyncadd.remote.s32 $0x1  }
0xbe: {  	_ =	sfence.sel $0xFFFF  }
0xbf: {  	[dreg:$0x0] =	wrdreg $0xFFFFFFFF;
	(pc) =	sbr.abs _section_cstart, $3  }
0xc0: {  	[dreg:$0x1] =	wrdreg $0xFFFFFFFF  }
0xc1: {  	_ =	task.clear_ibuf [dreg:s7], $0x2FFFF;
	_ =	strace $0x9FFFFFFF  }
0xc2: {  	(tm) =	ssettm $0x7FFFFFFF  }
0xc3: {  	_ =	shalt  }
tec
execute0_lowered:
.L_overlay_start_1:
0x0: {  	(tag) =	ssettag $0x1  }
0x1: {  	s1 =	rddreg [dreg:$0x0]  }
0x2: {  	s5 =	rddreg [dreg:$0x1]  }
0x3: {  	s0 =	rddreg [dreg:$0x2];
	s2 =	simm.s32 $0x0;
	s4 =	srdreg.scid  }
0x4: {  	[smem:$0x7FF] =	sst s2;
	s3 =	sadd.s32 $0x800, s1;
	s1 =	stileid.u32  }
0x5: {  	s14 =	sand.u32 $0x1, s4;
	s4 =	simm.s32 $0x2;
	_ =	strace $0x80000047  }
0x6: {  	[tilespmem:s2], [sflag:$0x2] =	stream.linear.gather [hbm4b:s3+s2], $0x2000, $0x38;
	[tilespmem:$0x2000] =	vst v63  }
0x7: {  	s6 =	sshll.u32 s14, $0x11;
	s7 =	sshll.u32 s1, $0xD;
	_ =	swait.ge [sflag:s4], $0x2000  }
0x8: {  	s6 =	sor.u32 s7, s6;
	[sflag:s4] =	ssyncset.done $0x0  }
0x9: {  	s5 =	sadd.s32 s5, s6;
	[sflag:s4] =	ssyncadd.s32 $0xFFFFE000  }
0xa: {  	[hbm4b:s5+s2] =	stream.linear.scatter [tilespmem:s2], [sflag:$0x1], $0x2000, $0x38;
	[tilespmem:$0x2000] =	vst v63  }
0xb: {  	s6 =	sadd.s32 $0x400, s5  }
0xc: {  	[hbm4b:s6+s2] =	stream.linear.scatter [tilespmem:s2], [sflag:$0x1], $0x2000, $0x38;
	[tilespmem:$0x2000] =	vst v63  }
0xd: {  	s7 =	sadd.s32 $0x800, s5  }
0xe: {  	[hbm4b:s7+s2] =	stream.linear.scatter [tilespmem:s2], [sflag:$0x1], $0x2000, $0x38;
	[tilespmem:$0x2000] =	vst v63  }
0xf: {  	s8 =	sadd.s32 $0xC00, s5  }
0x10: {  	[hbm4b:s8+s2] =	stream.linear.scatter [tilespmem:s2], [sflag:$0x1], $0x2000, $0x38;
	[tilespmem:$0x2000] =	vst v63  }
0x11: {  	s9 =	sadd.s32 $0x1000, s5  }
0x12: {  	[hbm4b:s9+s2] =	stream.linear.scatter [tilespmem:s2], [sflag:$0x1], $0x2000, $0x38;
	[tilespmem:$0x2000] =	vst v63  }
0x13: {  	s10 =	sadd.s32 $0x1400, s5  }
0x14: {  	[hbm4b:s10+s2] =	stream.linear.scatter [tilespmem:s2], [sflag:$0x1], $0x2000, $0x38;
	[tilespmem:$0x2000] =	vst v63  }
0x15: {  	s11 =	sadd.s32 $0x1800, s5  }
0x16: {  	[hbm4b:s11+s2] =	stream.linear.scatter [tilespmem:s2], [sflag:$0x1], $0x2000, $0x38;
	[tilespmem:$0x2000] =	vst v63  }
0x17: {  	s12 =	simm.s32 $0x1;
	s13 =	sadd.s32 $0x1C00, s5  }
0x18: {  	[hbm4b:s13+s2] =	stream.linear.scatter [tilespmem:s2], [sflag:$0x1], $0x2000, $0x38;
	[tilespmem:$0x2000] =	vst v63  }
0x19: {  	_ =	swait.ge [sflag:s12], $0x2000  }
0x1a: {  	[sflag:s12] =	ssyncset.done $0x0  }
0x1b: {  	[sflag:s12] =	ssyncadd.s32 $0xFFFFE000  }
0x1c: {  	_ =	swait.ge [sflag:s12], $0x2000  }
0x1d: {  	[sflag:s12] =	ssyncset.done $0x0  }
0x1e: {  	[sflag:s12] =	ssyncadd.s32 $0xFFFFE000  }
0x1f: {  	_ =	swait.ge [sflag:s12], $0x2000  }
0x20: {  	[sflag:s12] =	ssyncset.done $0x0  }
0x21: {  	[sflag:s12] =	ssyncadd.s32 $0xFFFFE000  }
0x22: {  	_ =	swait.ge [sflag:s12], $0x2000  }
0x23: {  	[sflag:s12] =	ssyncset.done $0x0  }
0x24: {  	[sflag:s12] =	ssyncadd.s32 $0xFFFFE000  }
0x25: {  	_ =	swait.ge [sflag:s12], $0x2000  }
0x26: {  	s14 =	ssub.s32 $0x2, s14;
	[sflag:s12] =	ssyncset.done $0x0  }
0x27: {  	s15 =	sshrl.u32 s14, $0x1;
	[sflag:s12] =	ssyncadd.s32 $0xFFFFE000  }
0x28: {  	s14 =	ssub.s32 s14, s15;
	_ =	swait.ge [sflag:s12], $0x2000  }
0x29: {  	s14 =	smax.u32 s14, $0x1;
	[sflag:s12] =	ssyncset.done $0x0  }
0x2a: {  	p0 =	sne.s32 s14, $0x1;
	[sflag:s12] =	ssyncadd.s32 $0xFFFFE000  }
.Ltmp0:
0x2b: {  	_ =	swait.ge [sflag:s12], $0x2000;
	(pc) =	sbr.rel @!p0 .LBB2_2-.Ltmp0, $4  }
0x2c: {  	[sflag:s12] =	ssyncset.done $0x0  }
0x2d: {  	[sflag:s12] =	ssyncadd.s32 $0xFFFFE000  }
0x2e: {  	_ =	swait.ge [sflag:s12], $0x2000  }
0x2f: {  	s14 =	sadd.s32 $0xFFFFFFFF, s14;
	[sflag:s12] =	ssyncset.done $0x0  }
.LBB2_1:
0x30: {  	p0 =	sne.s32 s14, $0x1;
	s14 =	sadd.s32 $0xFFFFFFFF, s14;
	[sflag:s12] =	ssyncadd.s32 $0xFFFFE000  }
0x31: {  	[tilespmem:s2], [sflag:$0x2] =	stream.linear.gather [hbm4b:s3+s2], $0x2000, $0x38;
	[tilespmem:$0x2000] =	vst v63  }
0x32: {  	_ =	swait.ge [sflag:s4], $0x2000  }
0x33: {  	[sflag:s4] =	ssyncset.done $0x0  }
0x34: {  	[sflag:s4] =	ssyncadd.s32 $0xFFFFE000  }
0x35: {  	[hbm4b:s5+s2] =	stream.linear.scatter [tilespmem:s2], [sflag:$0x1], $0x2000, $0x38;
	[tilespmem:$0x2000] =	vst v63  }
0x36: {  	_ = 	snop  }
0x37: {  	[hbm4b:s6+s2] =	stream.linear.scatter [tilespmem:s2], [sflag:$0x1], $0x2000, $0x38;
	[tilespmem:$0x2000] =	vst v63  }
0x38: {  	_ = 	snop  }
0x39: {  	[hbm4b:s7+s2] =	stream.linear.scatter [tilespmem:s2], [sflag:$0x1], $0x2000, $0x38;
	[tilespmem:$0x2000] =	vst v63  }
0x3a: {  	_ = 	snop  }
0x3b: {  	[hbm4b:s8+s2] =	stream.linear.scatter [tilespmem:s2], [sflag:$0x1], $0x2000, $0x38;
	[tilespmem:$0x2000] =	vst v63  }
0x3c: {  	_ = 	snop  }
0x3d: {  	[hbm4b:s9+s2] =	stream.linear.scatter [tilespmem:s2], [sflag:$0x1], $0x2000, $0x38;
	[tilespmem:$0x2000] =	vst v63  }
0x3e: {  	_ = 	snop  }
0x3f: {  	[hbm4b:s10+s2] =	stream.linear.scatter [tilespmem:s2], [sflag:$0x1], $0x2000, $0x38;
	[tilespmem:$0x2000] =	vst v63  }
0x40: {  	_ = 	snop  }
0x41: {  	[hbm4b:s11+s2] =	stream.linear.scatter [tilespmem:s2], [sflag:$0x1], $0x2000, $0x38;
	[tilespmem:$0x2000] =	vst v63  }
0x42: {  	_ = 	snop  }
0x43: {  	[hbm4b:s13+s2] =	stream.linear.scatter [tilespmem:s2], [sflag:$0x1], $0x2000, $0x38;
	[tilespmem:$0x2000] =	vst v63  }
0x44: {  	_ =	swait.ge [sflag:s12], $0x2000  }
0x45: {  	[sflag:s12] =	ssyncset.done $0x0  }
0x46: {  	[sflag:s12] =	ssyncadd.s32 $0xFFFFE000  }
0x47: {  	_ =	swait.ge [sflag:s12], $0x2000  }
0x48: {  	[sflag:s12] =	ssyncset.done $0x0  }
0x49: {  	[sflag:s12] =	ssyncadd.s32 $0xFFFFE000  }
0x4a: {  	_ =	swait.ge [sflag:s12], $0x2000  }
0x4b: {  	[sflag:s12] =	ssyncset.done $0x0  }
0x4c: {  	[sflag:s12] =	ssyncadd.s32 $0xFFFFE000  }
0x4d: {  	_ =	swait.ge [sflag:s12], $0x2000  }
0x4e: {  	[sflag:s12] =	ssyncset.done $0x0  }
0x4f: {  	[sflag:s12] =	ssyncadd.s32 $0xFFFFE000  }
0x50: {  	_ =	swait.ge [sflag:s12], $0x2000  }
0x51: {  	[sflag:s12] =	ssyncset.done $0x0  }
0x52: {  	[sflag:s12] =	ssyncadd.s32 $0xFFFFE000  }
0x53: {  	_ =	swait.ge [sflag:s12], $0x2000  }
0x54: {  	[sflag:s12] =	ssyncset.done $0x0  }
0x55: {  	[sflag:s12] =	ssyncadd.s32 $0xFFFFE000  }
.Ltmp1:
0x56: {  	_ =	swait.ge [sflag:s12], $0x2000;
	(pc) =	sbr.rel @p0 .LBB2_1-.Ltmp1, $4  }
0x57: {  	[sflag:s12] =	ssyncset.done $0x0  }
0x58: {  	[sflag:s12] =	ssyncadd.s32 $0xFFFFE000  }
0x59: {  	_ =	swait.ge [sflag:s12], $0x2000  }
0x5a: {  	[sflag:s12] =	ssyncset.done $0x0  }
.LBB2_2:
0x5b: {  	[sflag:s12] =	ssyncadd.s32 $0xFFFFE000  }
0x5c: {  	_ =	sfence.sel $0x180000  }
0x5d: {  	[bflag:$0x0] =	sbarrier.arrive $0xFFFF  }
0x5e: {  	p0 =	sne.s32 s1, $0x0;
	_ =	strace $0x90000047  }
0x5f: {  	s0 =	sadd.s32 @!p0 $0x100000, s0;
	[bflag:$0x2] =	sbarrier.arrive $0xFFFF  }
0x60: {  	[sflag:s0] =	ssyncadd.tile.s32 @!p0 $0x1;
	_ =	shalt  }
.Lfunc_end2:
_tile_overlayer_lowered:
.L_overlay_start_2:
0x61: {  	(tag) =	ssettag $0x2  }
0x62: {  	s0 =	rddreg [dreg:$0x0];
	s2 =	stileid.u32  }
0x63: {  	s1 =	rddreg [dreg:$0x1];
	p0 =	sne.s32 s2, $0x0  }
0x64: {  	s3 =	rddreg [dreg:$0x2];
	[bflag:$0x3] =	sbarrier.arrive $0xFFFF;
	s2 =	simm.s32 @!p0 $0x1C02  }
0x65: {  	[timem:s3], [sflag:s2] =	dma.local @!p0 [hbm:s0], s1  }
0x66: {  	s0 =	simm.s32 @!p0 $0x2  }
0x67: {  	_ =	swait.ge @!p0 [sflag:s0], s1  }
0x68: {  	s1 =	ssub.s32 @!p0 $0x0, s1;
	[sflag:s0] =	ssyncset.done @!p0 $0x0  }
0x69: {  	[sflag:s0] =	ssyncadd.s32 @!p0 s1  }
0x6a: {  	[bflag:$0x3] =	sbarrier.arrive $0xFFFF  }
0x6b: {  	_ =	shalt  }

</sc_bundles>
